<compile_context>
chip_gen: v7x
topology: tpu7x:2x2x1
jax: 0.10.2.dev20260603
libtpu: 0.0.44.dev20260713+nightly
codegen_flags: <defaults>
</compile_context>

<pallas_src>
import functools

import jax
import jax.numpy as jnp
import numpy as np
from jax import lax
from jax.experimental import pallas as pl
from jax.experimental.pallas import tpu as pltpu
from jax.experimental.pallas import tpu_sc as plsc

E = 512
NUM_HEADS = 8
HD = E // NUM_HEADS
KNN = 16
B = 2
NQ = 2048
NC = 8192
NQT = B * NQ
NCT = B * NC
NCHUNK = 512
CHW = NC // NCHUNK

SC_CORES = 2
SC_SUBCORES = 16
SC_WORKERS = SC_CORES * SC_SUBCORES
QPW = NQT // SC_WORKERS



def _mlp_encode(pos, rff, W1, b1, W2, b2):
    proj = 2.0 * np.pi * jnp.dot(pos, rff, preferred_element_type=jnp.float32)
    feats = jnp.concatenate([jnp.cos(proj), jnp.sin(proj)], axis=-1)
    h = jax.nn.gelu(jnp.dot(feats, W1, preferred_element_type=jnp.float32) + b1)
    return jnp.dot(h, W2, preferred_element_type=jnp.float32) + b2


def _ctx_encode_kernel(pos_ref, rff_ref, W1_ref, b1_ref, W2_ref, b2_ref,
                       Wk_ref, bk_ref, Wv_ref, bv_ref, kc_ref, vc_ref):
    enc = _mlp_encode(pos_ref[...], rff_ref[...], W1_ref[...], b1_ref[...],
                      W2_ref[...], b2_ref[...])
    kc_ref[...] = jnp.dot(enc, Wk_ref[...], preferred_element_type=jnp.float32) + bk_ref[...]
    vc_ref[...] = jnp.dot(enc, Wv_ref[...], preferred_element_type=jnp.float32) + bv_ref[...]


def _qry_encode_kernel(pos_ref, rff_ref, W1_ref, b1_ref, W2_ref, b2_ref,
                       Wq_ref, bq_ref, q_ref):
    enc = _mlp_encode(pos_ref[...], rff_ref[...], W1_ref[...], b1_ref[...],
                      W2_ref[...], b2_ref[...])
    q_ref[...] = jnp.dot(enc, Wq_ref[...], preferred_element_type=jnp.float32) + bq_ref[...]


def _encode_project(qpos_pad, cpos_pad, rff_pad, W1, b1, W2, b2, Wq, bq, Wk, bk, Wv, bv):
    CB = 1024
    kc, vc = pl.pallas_call(
        _ctx_encode_kernel,
        grid=(NCT // CB,),
        in_specs=[
            pl.BlockSpec((CB, 8), lambda i: (i, 0)),
            pl.BlockSpec((8, E // 2), lambda i: (0, 0)),
            pl.BlockSpec((E, E), lambda i: (0, 0)),
            pl.BlockSpec((1, E), lambda i: (0, 0)),
            pl.BlockSpec((E, E), lambda i: (0, 0)),
            pl.BlockSpec((1, E), lambda i: (0, 0)),
            pl.BlockSpec((E, E), lambda i: (0, 0)),
            pl.BlockSpec((1, E), lambda i: (0, 0)),
            pl.BlockSpec((E, E), lambda i: (0, 0)),
            pl.BlockSpec((1, E), lambda i: (0, 0)),
        ],
        out_specs=[
            pl.BlockSpec((CB, E), lambda i: (i, 0)),
            pl.BlockSpec((CB, E), lambda i: (i, 0)),
        ],
        out_shape=[
            jax.ShapeDtypeStruct((NCT, E), jnp.float32),
            jax.ShapeDtypeStruct((NCT, E), jnp.float32),
        ],
    )(cpos_pad, rff_pad, W1, b1, W2, b2, Wk, bk, Wv, bv)

    QB = 1024
    qp = pl.pallas_call(
        _qry_encode_kernel,
        grid=(NQT // QB,),
        in_specs=[
            pl.BlockSpec((QB, 8), lambda i: (i, 0)),
            pl.BlockSpec((8, E // 2), lambda i: (0, 0)),
            pl.BlockSpec((E, E), lambda i: (0, 0)),
            pl.BlockSpec((1, E), lambda i: (0, 0)),
            pl.BlockSpec((E, E), lambda i: (0, 0)),
            pl.BlockSpec((1, E), lambda i: (0, 0)),
            pl.BlockSpec((E, E), lambda i: (0, 0)),
            pl.BlockSpec((1, E), lambda i: (0, 0)),
        ],
        out_specs=pl.BlockSpec((QB, E), lambda i: (i, 0)),
        out_shape=jax.ShapeDtypeStruct((NQT, E), jnp.float32),
    )(qpos_pad, rff_pad, W1, b1, W2, b2, Wq, bq)
    return qp, kc, vc



def _chunkmin_kernel(qpos_ref, cposT_ref, m_ref, d_ref):
    qp = qpos_ref[0]
    qb = qp.shape[0]
    qn2 = jnp.sum(qp * qp, axis=1, keepdims=True)

    def cm_body(t, m):
        cpt = cposT_ref[0, :, pl.ds(t * NCHUNK, NCHUNK)]
        cn2t = jnp.sum(cpt * cpt, axis=0)
        e = jnp.dot(qp, cpt, preferred_element_type=jnp.float32)
        dt = (qn2 + cn2t[None, :]) - 2.0 * e
        d_ref[0, :, pl.ds(t * NCHUNK, NCHUNK)] = dt
        return jnp.minimum(m, dt)

    m_ref[0] = lax.fori_loop(0, CHW, cm_body,
                             jnp.full((qb, NCHUNK), jnp.inf, jnp.float32))


def _select_kernel(m_ref, j_ref):
    m0 = m_ref[0]
    qb = m0.shape[0]
    lane = lax.broadcasted_iota(jnp.int32, (qb, NCHUNK), 1)
    lane16 = lax.broadcasted_iota(jnp.int32, (qb, KNN), 1)

    def sel_body(i, carry):
        m, jacc = carry
        mn = jnp.min(m, axis=1, keepdims=True)
        idx = jnp.min(jnp.where(m <= mn, lane, NCHUNK), axis=1, keepdims=True)
        jacc = jnp.where(lane16 == i, idx, jacc)
        m = jnp.where(lane == idx, jnp.inf, m)
        return m, jacc

    _, jacc = lax.fori_loop(0, KNN, sel_body,
                            (m0, jnp.zeros((qb, KNN), jnp.int32)))
    j_ref[0] = jacc


def _knn_chunks(qpos_pad, cposT):
    QB = 128
    m, dfull = pl.pallas_call(
        _chunkmin_kernel,
        grid=(B, NQ // QB),
        in_specs=[
            pl.BlockSpec((1, QB, 8), lambda b, i: (b, i, 0)),
            pl.BlockSpec((1, 8, NC), lambda b, i: (b, 0, 0)),
        ],
        out_specs=[
            pl.BlockSpec((1, QB, NCHUNK), lambda b, i: (b, i, 0)),
            pl.BlockSpec((1, QB, NC), lambda b, i: (b, i, 0)),
        ],
        out_shape=[
            jax.ShapeDtypeStruct((B, NQ, NCHUNK), jnp.float32),
            jax.ShapeDtypeStruct((B, NQ, NC), jnp.float32),
        ],
    )(qpos_pad, cposT)
    j = pl.pallas_call(
        _select_kernel,
        grid=(B, NQ // QB),
        in_specs=[pl.BlockSpec((1, QB, NCHUNK), lambda b, i: (b, i, 0))],
        out_specs=pl.BlockSpec((1, QB, KNN), lambda b, i: (b, i, 0)),
        out_shape=jax.ShapeDtypeStruct((B, NQ, KNN), jnp.int32),
    )(m)
    return j, dfull



def _sc_body(j_hbm, d_hbm, kc_hbm, vc_hbm,
             kg_hbm, vg_hbm,
             drow_v, j_v, krows, vrows, idx_v, sidx_v,
             sem_d, sem_k, sem_v):
    cid = lax.axis_index("c")
    sid = lax.axis_index("s")
    wid = sid * SC_CORES + cid
    b = wid // (SC_WORKERS // B)

    pltpu.sync_copy(j_hbm.at[pl.ds(wid * (QPW * KNN), QPW * KNN)], j_v)

    def body(ql, carry):
        q = wid * QPW + ql
        pltpu.async_copy(d_hbm.at[q], drow_v, sem_d).wait()
        jvec = j_v[pl.ds(ql * KNN, KNN)]
        rk = rv = None
        for t in range(CHW):
            cand = jvec + jnp.int32(t * NCHUNK)
            d2 = plsc.load_gather(drow_v, [cand])
            sk, sv = plsc.sort_key_val(d2, cand)
            if t == 0:
                rk, rv = sk, sv
            else:
                rsk = lax.rev(sk, (0,))
                rsv = lax.rev(sv, (0,))
                take = rk <= rsk
                mk = jnp.where(take, rk, rsk)
                mv = jnp.where(take, rv, rsv)
                rk, rv = plsc.sort_key_val(mk, mv)
        idx_v[...] = rv + b * NC
        sidx_v[...] = lax.iota(jnp.int32, 16) * NQT + q
        pltpu.async_copy(kc_hbm.at[idx_v], krows, sem_k).wait()
        pltpu.async_copy(vc_hbm.at[idx_v], vrows, sem_v).wait()
        pltpu.async_copy(krows, kg_hbm.at[sidx_v], sem_k).wait()
        pltpu.async_copy(vrows, vg_hbm.at[sidx_v], sem_v).wait()
        return carry

    lax.fori_loop(0, QPW, body, 0)


def _sc_refine_gather(j_flat, dflat, kc, vc):
    mesh = plsc.VectorSubcoreMesh(core_axis_name="c", subcore_axis_name="s",
                                  num_cores=SC_CORES, num_subcores=SC_SUBCORES)
    f = pl.kernel(
        _sc_body,
        compiler_params=pltpu.CompilerParams(needs_layout_passes=False),
        out_type=[
            jax.ShapeDtypeStruct((NQT * KNN, E), jnp.float32),
            jax.ShapeDtypeStruct((NQT * KNN, E), jnp.float32),
        ],
        mesh=mesh,
        scratch_types=[
            pltpu.VMEM((NC,), jnp.float32),
            pltpu.VMEM((QPW * KNN,), jnp.int32),
            pltpu.VMEM((KNN, E), jnp.float32),
            pltpu.VMEM((KNN, E), jnp.float32),
            pltpu.VMEM((KNN,), jnp.int32),
            pltpu.VMEM((KNN,), jnp.int32),
            pltpu.SemaphoreType.DMA,
            pltpu.SemaphoreType.DMA,
            pltpu.SemaphoreType.DMA,
        ],
    )
    return f(j_flat, dflat, kc, vc)



def _attn_kernel(q_ref, kg_ref, vg_ref, wseg_ref, wsegT_ref, Wo_ref, bo_ref, o_ref):
    q = q_ref[...]
    wseg = wseg_ref[...]
    wsegT = wsegT_ref[...]
    scale = 1.0 / np.sqrt(HD)
    sks = []
    m = None
    for k in range(KNN):
        sk = jnp.dot(q * kg_ref[k], wseg,
                     preferred_element_type=jnp.float32) * scale
        sks.append(sk)
        m = sk if k == 0 else jnp.maximum(m, sk)
    es = [jnp.exp(sk - m) for sk in sks]
    den = es[0]
    for e in es[1:]:
        den = den + e
    inv = 1.0 / den
    acc = None
    for k in range(KNN):
        w = jnp.dot(es[k], wsegT, preferred_element_type=jnp.float32)
        t = w * vg_ref[k]
        acc = t if k == 0 else acc + t
    o = acc * jnp.dot(inv, wsegT, preferred_element_type=jnp.float32)
    o_ref[...] = jnp.dot(o, Wo_ref[...], preferred_element_type=jnp.float32) + bo_ref[...]


def _attention(qp, kg, vg, wseg, Wo, bo):
    QB = 128
    return pl.pallas_call(
        _attn_kernel,
        grid=(NQT // QB,),
        in_specs=[
            pl.BlockSpec((QB, E), lambda i: (i, 0)),
            pl.BlockSpec((KNN, QB, E), lambda i: (0, i, 0)),
            pl.BlockSpec((KNN, QB, E), lambda i: (0, i, 0)),
            pl.BlockSpec((E, NUM_HEADS), lambda i: (0, 0)),
            pl.BlockSpec((NUM_HEADS, E), lambda i: (0, 0)),
            pl.BlockSpec((E, E), lambda i: (0, 0)),
            pl.BlockSpec((1, E), lambda i: (0, 0)),
        ],
        out_specs=pl.BlockSpec((QB, E), lambda i: (i, 0)),
        out_shape=jax.ShapeDtypeStruct((NQT, E), jnp.float32),
    )(qp, kg.reshape(KNN, NQT, E), vg.reshape(KNN, NQT, E), wseg, wseg.T, Wo, bo)



def kernel(query, query_pos, context, context_pos, rff_B, W1, b1, W2, b2,
           Wq, bq, Wk, bk, Wv, bv, Wo, bo):
    pad = [(0, 0), (0, 0), (0, 5)]
    qpos_pad = jnp.pad(query_pos, pad)
    cpos_pad = jnp.pad(context_pos, pad)
    rff_pad = jnp.pad(rff_B, [(0, 5), (0, 0)])
    b1r = b1.reshape(1, E)
    b2r = b2.reshape(1, E)
    bqr = bq.reshape(1, E)
    bkr = bk.reshape(1, E)
    bvr = bv.reshape(1, E)
    bor = bo.reshape(1, E)

    qp, kc, vc = _encode_project(qpos_pad.reshape(NQT, 8), cpos_pad.reshape(NCT, 8),
                                 rff_pad, W1, b1r, W2, b2r, Wq, bqr, Wk, bkr, Wv, bvr)

    cposT = cpos_pad.transpose(0, 2, 1)
    j, dfull = _knn_chunks(qpos_pad, cposT)

    j_flat = j.reshape(NQT * KNN)
    dflat = dfull.reshape(NQT, NC)

    kg, vg = _sc_refine_gather(j_flat, dflat, kc, vc)

    wseg = jnp.repeat(jnp.eye(NUM_HEADS, dtype=jnp.float32), HD, axis=0)
    out = _attention(qp, kg, vg, wseg, Wo, bor)
    return out.reshape(B, NQ, E), query_pos

# --- scband reference (transcript-rebuilt; emitter-appended) ---
"""Pipeline reference for scband-cross-attention-35167192219779 (READ-ONLY COPY).

The authoritative reference and input builder live on the scoring server;
editing this copy changes nothing except your own understanding.
"""

import jax, jax.numpy as jnp
import numpy as np

EMBED_DIM = 512
NUM_HEADS = 8
K_NEAREST = 16
COORD_DIM = 3
B = 2
NQ = 2048
NC = 8192


def pos_encode(pos, rff_B, W1, b1, W2, b2):
    proj = 2.0 * jnp.pi * (pos @ rff_B)
    feats = jnp.concatenate([jnp.cos(proj), jnp.sin(proj)], axis=-1)
    h = jax.nn.gelu(feats @ W1 + b1)
    return h @ W2 + b2


def mha(q, kv, Wq, bq, Wk, bk, Wv, bv, Wo, bo):
    Bq, Lq, E = q.shape
    Lk = kv.shape[1]
    hd = E // NUM_HEADS
    Q = (q @ Wq + bq).reshape(Bq, Lq, NUM_HEADS, hd).transpose(0, 2, 1, 3)
    K = (kv @ Wk + bk).reshape(Bq, Lk, NUM_HEADS, hd).transpose(0, 2, 1, 3)
    V = (kv @ Wv + bv).reshape(Bq, Lk, NUM_HEADS, hd).transpose(0, 2, 1, 3)
    scores = jnp.einsum('bhqd,bhkd->bhqk', Q, K) / np.sqrt(hd)
    attn = jax.nn.softmax(scores, axis=-1)
    out = jnp.einsum('bhqk,bhkd->bhqd', attn, V)
    out = out.transpose(0, 2, 1, 3).reshape(Bq, Lq, E)
    return out @ Wo + bo


def setup_inputs(seed: int = 0):
    key = jax.random.key(seed)
    ks = jax.random.split(key, 16)
    E = EMBED_DIM
    s = 1.0 / np.sqrt(E)
    return {
        'query': jax.random.normal(ks[0], (B, NQ, E), dtype=jnp.float32),
        'query_pos': jax.random.uniform(ks[1], (B, NQ, COORD_DIM), dtype=jnp.float32),
        'context': jax.random.normal(ks[2], (B, NC, E), dtype=jnp.float32),
        'context_pos': jax.random.uniform(ks[3], (B, NC, COORD_DIM), dtype=jnp.float32),
        'rff_B': jax.random.normal(ks[4], (COORD_DIM, E // 2), dtype=jnp.float32) * 1.0,
        'W1': jax.random.normal(ks[5], (E, E), dtype=jnp.float32) * s,
        'b1': jnp.zeros((E,), jnp.float32),
        'W2': jax.random.normal(ks[6], (E, E), dtype=jnp.float32) * s,
        'b2': jnp.zeros((E,), jnp.float32),
        'Wq': jax.random.normal(ks[7], (E, E), dtype=jnp.float32) * s,
        'bq': jnp.zeros((E,), jnp.float32),
        'Wk': jax.random.normal(ks[8], (E, E), dtype=jnp.float32) * s,
        'bk': jnp.zeros((E,), jnp.float32),
        'Wv': jax.random.normal(ks[9], (E, E), dtype=jnp.float32) * s,
        'bv': jnp.zeros((E,), jnp.float32),
        'Wo': jax.random.normal(ks[10], (E, E), dtype=jnp.float32) * s,
        'bo': jnp.zeros((E,), jnp.float32),
    }


def reference(query, query_pos, context, context_pos, rff_B, W1, b1, W2, b2, Wq, bq, Wk, bk, Wv, bv, Wo, bo):
    # rff positional encoding replaces query/context features
    q_enc = pos_encode(query_pos, rff_B, W1, b1, W2, b2)
    c_enc = pos_encode(context_pos, rff_B, W1, b1, W2, b2)
    # k-NN via squared euclidean distance (same ordering as cdist)
    d2 = (jnp.sum(query_pos ** 2, -1)[..., None]
          + jnp.sum(context_pos ** 2, -1)[:, None, :]
          - 2.0 * jnp.einsum('bqc,bkc->bqk', query_pos, context_pos))
    _, knn_idx = jax.lax.top_k(-d2, K_NEAREST)
    gathered = jax.vmap(lambda c, idx: c[idx])(c_enc, knn_idx)
    Bsz, Q, E = q_enc.shape
    qf = q_enc.reshape(Bsz * Q, 1, E)
    cf = gathered.reshape(Bsz * Q, K_NEAREST, E)
    out = mha(qf, cf, Wq, bq, Wk, bk, Wv, bv, Wo, bo)
    return out.reshape(Bsz, Q, E), query_pos

if __name__ == "__main__":
    import jax
    _d = setup_inputs()
    print(jax.jit(kernel)(*tuple(_d.values())))

</pallas_src>

<mosaic_0001>
#map = affine_map<(d0, d1) -> (0)>
#map1 = affine_map<(d0, d1) -> (0, 0)>
module attributes {stable_mosaic.version = 14 : i64} {
  func.func @_sc_body(%arg0: i32, %arg1: i32, %arg2: memref<65536xi32, #tpu.memory_space<hbm>>, %arg3: memref<4096x8192xf32, #tpu.memory_space<hbm>>, %arg4: memref<16384x512xf32, #tpu.memory_space<hbm>>, %arg5: memref<16384x512xf32, #tpu.memory_space<hbm>>, %arg6: memref<65536x512xf32, #tpu.memory_space<hbm>>, %arg7: memref<65536x512xf32, #tpu.memory_space<hbm>>, %arg8: memref<8192xf32, #tpu.memory_space<vmem>>, %arg9: memref<2048xi32, #tpu.memory_space<vmem>>, %arg10: memref<16x512xf32, #tpu.memory_space<vmem>>, %arg11: memref<16x512xf32, #tpu.memory_space<vmem>>, %arg12: memref<16xi32, #tpu.memory_space<vmem>>, %arg13: memref<16xi32, #tpu.memory_space<vmem>>, %arg14: memref<!tpu.dma_semaphore, #tpu.memory_space<semaphore_mem>>, %arg15: memref<!tpu.dma_semaphore, #tpu.memory_space<semaphore_mem>>, %arg16: memref<!tpu.dma_semaphore, #tpu.memory_space<semaphore_mem>>) attributes {dimension_semantics = [#tpu.dimension_semantics<core_parallel>, #tpu.dimension_semantics<subcore_parallel>], iteration_bounds = array<i64: 2, 16>, scalar_prefetch = 0 : i64, scratch_operands = 9 : i64, tpu.core_type = #tpu.core_type<sc_vector_subcore>, window_params = [{transform_indices = #map}, {transform_indices = #map1}, {transform_indices = #map1}, {transform_indices = #map1}, {transform_indices = #map1}, {transform_indices = #map1}]} {
    %mul3A = arith.constant 2 : i32
    %mul3A_0 = arith.muli %arg1, %mul3A : i32
    %add3A = arith.addi %mul3A_0, %arg0 : i32
    %jit3A = arith.constant 16 : i32
    %div3A = arith.divsi %add3A, %jit3A : i32
    %sign3A = arith.constant 0 : i32
    %sign3A_1 = arith.cmpi sgt, %add3A, %sign3A : i32
    %sign3A_2 = arith.extui %sign3A_1 : i1 to i32
    %sign3A_3 = arith.constant 0 : i32
    %sign3A_4 = arith.cmpi slt, %add3A, %sign3A_3 : i32
    %sign3A_5 = arith.extui %sign3A_4 : i1 to i32
    %sign3A_6 = arith.subi %sign3A_2, %sign3A_5 : i32
    %sign3A_7 = arith.constant 0 : i32
    %sign3A_8 = arith.cmpi sgt, %jit3A, %sign3A_7 : i32
    %sign3A_9 = arith.extui %sign3A_8 : i1 to i32
    %sign3A_10 = arith.constant 0 : i32
    %sign3A_11 = arith.cmpi slt, %jit3A, %sign3A_10 : i32
    %sign3A_12 = arith.extui %sign3A_11 : i1 to i32
    %sign3A_13 = arith.subi %sign3A_9, %sign3A_12 : i32
    %ne3A = arith.cmpi ne, %sign3A_6, %sign3A_13 : i32
    %rem3A = arith.remsi %add3A, %jit3A : i32
    %ne3A_14 = arith.constant 0 : i32
    %ne3A_15 = arith.cmpi ne, %rem3A, %ne3A_14 : i32
    %and3A = arith.andi %ne3A, %ne3A_15 : i1
    %sub3A = arith.constant 1 : i32
    %sub3A_16 = arith.subi %div3A, %sub3A : i32
    %select_n3A = arith.select %and3A, %sub3A_16, %div3A : i32
    %mul3A_17 = arith.constant 2048 : i32
    %mul3A_18 = arith.muli %add3A, %mul3A_17 : i32
    "tpu.region"() ({
      %run_scoped3A = tpu.sem_alloc : memref<!tpu.dma_semaphore, #tpu.memory_space<semaphore_mem>>
      %dma_start3A = tpu.memref_slice %arg2[%mul3A_18] : memref<65536xi32, #tpu.memory_space<hbm>> -> memref<2048xi32, #tpu.memory_space<hbm>>
      %dma_start3A_24 = tpu.memref_slice %arg2[%mul3A_18] : memref<65536xi32, #tpu.memory_space<hbm>> -> memref<2048xi32, #tpu.memory_space<hbm>>
      tpu.enqueue_dma source(%dma_start3A_24 : memref<2048xi32, #tpu.memory_space<hbm>>) target(%arg9 : memref<2048xi32, #tpu.memory_space<vmem>>) target_semaphore(%run_scoped3A : memref<!tpu.dma_semaphore, #tpu.memory_space<semaphore_mem>>)
      %dma_wait3A = tpu.memref_slice %arg2[%mul3A_18] : memref<65536xi32, #tpu.memory_space<hbm>> -> memref<2048xi32, #tpu.memory_space<hbm>>
      %dma_wait3A_25 = tpu.memref_slice %arg2[%mul3A_18] : memref<65536xi32, #tpu.memory_space<hbm>> -> memref<2048xi32, #tpu.memory_space<hbm>>
      tpu.wait_dma2 semaphore(%run_scoped3A : memref<!tpu.dma_semaphore, #tpu.memory_space<semaphore_mem>>) src(%dma_wait3A_25 : memref<2048xi32, #tpu.memory_space<hbm>>) dst(%arg9 : memref<2048xi32, #tpu.memory_space<vmem>>)
      tpu.yield
    }) : () -> ()
    %scan3A = arith.constant 0 : i32
    %scan3A_19 = arith.constant 0 : i32
    %scan3A_20 = arith.constant 128 : i32
    %scan3A_21 = arith.addi %scan3A_19, %scan3A_20 : i32
    %scan3A_22 = arith.constant 1 : i32
    scf.for %scan3A_24 = %scan3A_19 to %scan3A_21 step %scan3A_22  : i32 {
      %mul3A_25 = arith.constant 128 : i32
      %mul3A_26 = arith.muli %add3A, %mul3A_25 : i32
      %add3A_27 = arith.addi %mul3A_26, %scan3A_24 : i32
      %dma_start3A = arith.constant 0 : i32
      %dma_start3A_28 = tpu.memref_slice %arg3[%add3A_27, %dma_start3A] : memref<4096x8192xf32, #tpu.memory_space<hbm>> -> memref<1x8192xf32, #tpu.memory_space<hbm>>
      %dma_start3A_29 = tpu.memref_squeeze %dma_start3A_28 : memref<1x8192xf32, #tpu.memory_space<hbm>> -> memref<8192xf32, #tpu.memory_space<hbm>>
      %dma_start3A_30 = arith.constant 0 : i32
      %dma_start3A_31 = tpu.memref_slice %arg3[%add3A_27, %dma_start3A_30] : memref<4096x8192xf32, #tpu.memory_space<hbm>> -> memref<1x8192xf32, #tpu.memory_space<hbm>>
      %dma_start3A_32 = tpu.memref_squeeze %dma_start3A_31 : memref<1x8192xf32, #tpu.memory_space<hbm>> -> memref<8192xf32, #tpu.memory_space<hbm>>
      tpu.enqueue_dma source(%dma_start3A_32 : memref<8192xf32, #tpu.memory_space<hbm>>) target(%arg8 : memref<8192xf32, #tpu.memory_space<vmem>>) target_semaphore(%arg14 : memref<!tpu.dma_semaphore, #tpu.memory_space<semaphore_mem>>)
      %dma_wait3A = arith.constant 0 : i32
      %dma_wait3A_33 = tpu.memref_slice %arg3[%add3A_27, %dma_wait3A] : memref<4096x8192xf32, #tpu.memory_space<hbm>> -> memref<1x8192xf32, #tpu.memory_space<hbm>>
      %dma_wait3A_34 = tpu.memref_squeeze %dma_wait3A_33 : memref<1x8192xf32, #tpu.memory_space<hbm>> -> memref<8192xf32, #tpu.memory_space<hbm>>
      %dma_wait3A_35 = arith.constant 0 : i32
      %dma_wait3A_36 = tpu.memref_slice %arg3[%add3A_27, %dma_wait3A_35] : memref<4096x8192xf32, #tpu.memory_space<hbm>> -> memref<1x8192xf32, #tpu.memory_space<hbm>>
      %dma_wait3A_37 = tpu.memref_squeeze %dma_wait3A_36 : memref<1x8192xf32, #tpu.memory_space<hbm>> -> memref<8192xf32, #tpu.memory_space<hbm>>
      tpu.wait_dma2 semaphore(%arg14 : memref<!tpu.dma_semaphore, #tpu.memory_space<semaphore_mem>>) src(%dma_wait3A_37 : memref<8192xf32, #tpu.memory_space<hbm>>) dst(%arg8 : memref<8192xf32, #tpu.memory_space<vmem>>)
      %mul3A_38 = arith.constant 16 : i32
      %mul3A_39 = arith.muli %scan3A_24, %mul3A_38 : i32
      %get3A = arith.index_cast %mul3A_39 : i32 to index
      %get3A_40 = tpu.vector_load %arg9[%get3A] {strides = array<i32>} : memref<2048xi32, #tpu.memory_space<vmem>>, vector<16xi32>,
      %add3A_41 = arith.constant 0 : i32
      %add3A_42 = vector.broadcast %add3A_41 : i32 to vector<16xi32>
      %add3A_43 = arith.addi %get3A_40, %add3A_42 : vector<16xi32>
      %gather3A = tpu.vector_load_idx %arg8[%add3A_43] : memref<8192xf32, #tpu.memory_space<vmem>>[vector<16xi32>], vector<16xf32>,
      %masked_sort3A = arith.constant dense<true> : vector<16xi1>
      %masked_sort3A_44, %masked_sort3A_45, %masked_sort3A_46 = tpu.sort %gather3A, %add3A_43 masked %masked_sort3A : (vector<16xf32>, vector<16xi32>, vector<16xi1>) -> (vector<16xi1>, vector<16xf32>, vector<16xi32>)
      %add3A_47 = arith.constant 512 : i32
      %add3A_48 = vector.broadcast %add3A_47 : i32 to vector<16xi32>
      %add3A_49 = arith.addi %get3A_40, %add3A_48 : vector<16xi32>
      %gather3A_50 = tpu.vector_load_idx %arg8[%add3A_49] : memref<8192xf32, #tpu.memory_space<vmem>>[vector<16xi32>], vector<16xf32>,
      %masked_sort3A_51 = arith.constant dense<true> : vector<16xi1>
      %masked_sort3A_52, %masked_sort3A_53, %masked_sort3A_54 = tpu.sort %gather3A_50, %add3A_49 masked %masked_sort3A_51 : (vector<16xf32>, vector<16xi32>, vector<16xi1>) -> (vector<16xi1>, vector<16xf32>, vector<16xi32>)
      %rev3A = arith.constant 15 : i32
      %rev3A_55 = vector.broadcast %rev3A : i32 to vector<16xi32>
      %rev3A_56 = tpu.iota {dimensions = array<i32: 0>} : vector<16xi32>
      %rev3A_57 = arith.subi %rev3A_55, %rev3A_56 : vector<16xi32>
      %rev3A_58 = tpu.dynamic_gather %masked_sort3A_53[%rev3A_57] in [0] : vector<16xf32>, vector<16xi32> -> vector<16xf32>
      %rev3A_59 = arith.constant 15 : i32
      %rev3A_60 = vector.broadcast %rev3A_59 : i32 to vector<16xi32>
      %rev3A_61 = tpu.iota {dimensions = array<i32: 0>} : vector<16xi32>
      %rev3A_62 = arith.subi %rev3A_60, %rev3A_61 : vector<16xi32>
      %rev3A_63 = tpu.dynamic_gather %masked_sort3A_54[%rev3A_62] in [0] : vector<16xi32>, vector<16xi32> -> vector<16xi32>
      %le3A = arith.cmpf ole, %masked_sort3A_45, %rev3A_58 : vector<16xf32>
      %select_n3A_64 = arith.select %le3A, %masked_sort3A_45, %rev3A_58 : vector<16xi1>, vector<16xf32>
      %select_n3A_65 = arith.select %le3A, %masked_sort3A_46, %rev3A_63 : vector<16xi1>, vector<16xi32>
      %masked_sort3A_66 = arith.constant dense<true> : vector<16xi1>
      %masked_sort3A_67, %masked_sort3A_68, %masked_sort3A_69 = tpu.sort %select_n3A_64, %select_n3A_65 masked %masked_sort3A_66 : (vector<16xf32>, vector<16xi32>, vector<16xi1>) -> (vector<16xi1>, vector<16xf32>, vector<16xi32>)
      %add3A_70 = arith.constant 1024 : i32
      %add3A_71 = vector.broadcast %add3A_70 : i32 to vector<16xi32>
      %add3A_72 = arith.addi %get3A_40, %add3A_71 : vector<16xi32>
      %gather3A_73 = tpu.vector_load_idx %arg8[%add3A_72] : memref<8192xf32, #tpu.memory_space<vmem>>[vector<16xi32>], vector<16xf32>,
      %masked_sort3A_74 = arith.constant dense<true> : vector<16xi1>
      %masked_sort3A_75, %masked_sort3A_76, %masked_sort3A_77 = tpu.sort %gather3A_73, %add3A_72 masked %masked_sort3A_74 : (vector<16xf32>, vector<16xi32>, vector<16xi1>) -> (vector<16xi1>, vector<16xf32>, vector<16xi32>)
      %rev3A_78 = arith.constant 15 : i32
      %rev3A_79 = vector.broadcast %rev3A_78 : i32 to vector<16xi32>
      %rev3A_80 = tpu.iota {dimensions = array<i32: 0>} : vector<16xi32>
      %rev3A_81 = arith.subi %rev3A_79, %rev3A_80 : vector<16xi32>
      %rev3A_82 = tpu.dynamic_gather %masked_sort3A_76[%rev3A_81] in [0] : vector<16xf32>, vector<16xi32> -> vector<16xf32>
      %rev3A_83 = arith.constant 15 : i32
      %rev3A_84 = vector.broadcast %rev3A_83 : i32 to vector<16xi32>
      %rev3A_85 = tpu.iota {dimensions = array<i32: 0>} : vector<16xi32>
      %rev3A_86 = arith.subi %rev3A_84, %rev3A_85 : vector<16xi32>
      %rev3A_87 = tpu.dynamic_gather %masked_sort3A_77[%rev3A_86] in [0] : vector<16xi32>, vector<16xi32> -> vector<16xi32>
      %le3A_88 = arith.cmpf ole, %masked_sort3A_68, %rev3A_82 : vector<16xf32>
      %select_n3A_89 = arith.select %le3A_88, %masked_sort3A_68, %rev3A_82 : vector<16xi1>, vector<16xf32>
      %select_n3A_90 = arith.select %le3A_88, %masked_sort3A_69, %rev3A_87 : vector<16xi1>, vector<16xi32>
      %masked_sort3A_91 = arith.constant dense<true> : vector<16xi1>
      %masked_sort3A_92, %masked_sort3A_93, %masked_sort3A_94 = tpu.sort %select_n3A_89, %select_n3A_90 masked %masked_sort3A_91 : (vector<16xf32>, vector<16xi32>, vector<16xi1>) -> (vector<16xi1>, vector<16xf32>, vector<16xi32>)
      %add3A_95 = arith.constant 1536 : i32
      %add3A_96 = vector.broadcast %add3A_95 : i32 to vector<16xi32>
      %add3A_97 = arith.addi %get3A_40, %add3A_96 : vector<16xi32>
      %gather3A_98 = tpu.vector_load_idx %arg8[%add3A_97] : memref<8192xf32, #tpu.memory_space<vmem>>[vector<16xi32>], vector<16xf32>,
      %masked_sort3A_99 = arith.constant dense<true> : vector<16xi1>
      %masked_sort3A_100, %masked_sort3A_101, %masked_sort3A_102 = tpu.sort %gather3A_98, %add3A_97 masked %masked_sort3A_99 : (vector<16xf32>, vector<16xi32>, vector<16xi1>) -> (vector<16xi1>, vector<16xf32>, vector<16xi32>)
      %rev3A_103 = arith.constant 15 : i32
      %rev3A_104 = vector.broadcast %rev3A_103 : i32 to vector<16xi32>
      %rev3A_105 = tpu.iota {dimensions = array<i32: 0>} : vector<16xi32>
      %rev3A_106 = arith.subi %rev3A_104, %rev3A_105 : vector<16xi32>
      %rev3A_107 = tpu.dynamic_gather %masked_sort3A_101[%rev3A_106] in [0] : vector<16xf32>, vector<16xi32> -> vector<16xf32>
      %rev3A_108 = arith.constant 15 : i32
      %rev3A_109 = vector.broadcast %rev3A_108 : i32 to vector<16xi32>
      %rev3A_110 = tpu.iota {dimensions = array<i32: 0>} : vector<16xi32>
      %rev3A_111 = arith.subi %rev3A_109, %rev3A_110 : vector<16xi32>
      %rev3A_112 = tpu.dynamic_gather %masked_sort3A_102[%rev3A_111] in [0] : vector<16xi32>, vector<16xi32> -> vector<16xi32>
      %le3A_113 = arith.cmpf ole, %masked_sort3A_93, %rev3A_107 : vector<16xf32>
      %select_n3A_114 = arith.select %le3A_113, %masked_sort3A_93, %rev3A_107 : vector<16xi1>, vector<16xf32>
      %select_n3A_115 = arith.select %le3A_113, %masked_sort3A_94, %rev3A_112 : vector<16xi1>, vector<16xi32>
      %masked_sort3A_116 = arith.constant dense<true> : vector<16xi1>
      %masked_sort3A_117, %masked_sort3A_118, %masked_sort3A_119 = tpu.sort %select_n3A_114, %select_n3A_115 masked %masked_sort3A_116 : (vector<16xf32>, vector<16xi32>, vector<16xi1>) -> (vector<16xi1>, vector<16xf32>, vector<16xi32>)
      %add3A_120 = arith.constant 2048 : i32
      %add3A_121 = vector.broadcast %add3A_120 : i32 to vector<16xi32>
      %add3A_122 = arith.addi %get3A_40, %add3A_121 : vector<16xi32>
      %gather3A_123 = tpu.vector_load_idx %arg8[%add3A_122] : memref<8192xf32, #tpu.memory_space<vmem>>[vector<16xi32>], vector<16xf32>,
      %masked_sort3A_124 = arith.constant dense<true> : vector<16xi1>
      %masked_sort3A_125, %masked_sort3A_126, %masked_sort3A_127 = tpu.sort %gather3A_123, %add3A_122 masked %masked_sort3A_124 : (vector<16xf32>, vector<16xi32>, vector<16xi1>) -> (vector<16xi1>, vector<16xf32>, vector<16xi32>)
      %rev3A_128 = arith.constant 15 : i32
      %rev3A_129 = vector.broadcast %rev3A_128 : i32 to vector<16xi32>
      %rev3A_130 = tpu.iota {dimensions = array<i32: 0>} : vector<16xi32>
      %rev3A_131 = arith.subi %rev3A_129, %rev3A_130 : vector<16xi32>
      %rev3A_132 = tpu.dynamic_gather %masked_sort3A_126[%rev3A_131] in [0] : vector<16xf32>, vector<16xi32> -> vector<16xf32>
      %rev3A_133 = arith.constant 15 : i32
      %rev3A_134 = vector.broadcast %rev3A_133 : i32 to vector<16xi32>
      %rev3A_135 = tpu.iota {dimensions = array<i32: 0>} : vector<16xi32>
      %rev3A_136 = arith.subi %rev3A_134, %rev3A_135 : vector<16xi32>
      %rev3A_137 = tpu.dynamic_gather %masked_sort3A_127[%rev3A_136] in [0] : vector<16xi32>, vector<16xi32> -> vector<16xi32>
      %le3A_138 = arith.cmpf ole, %masked_sort3A_118, %rev3A_132 : vector<16xf32>
      %select_n3A_139 = arith.select %le3A_138, %masked_sort3A_118, %rev3A_132 : vector<16xi1>, vector<16xf32>
      %select_n3A_140 = arith.select %le3A_138, %masked_sort3A_119, %rev3A_137 : vector<16xi1>, vector<16xi32>
      %masked_sort3A_141 = arith.constant dense<true> : vector<16xi1>
      %masked_sort3A_142, %masked_sort3A_143, %masked_sort3A_144 = tpu.sort %select_n3A_139, %select_n3A_140 masked %masked_sort3A_141 : (vector<16xf32>, vector<16xi32>, vector<16xi1>) -> (vector<16xi1>, vector<16xf32>, vector<16xi32>)
      %add3A_145 = arith.constant 2560 : i32
      %add3A_146 = vector.broadcast %add3A_145 : i32 to vector<16xi32>
      %add3A_147 = arith.addi %get3A_40, %add3A_146 : vector<16xi32>
      %gather3A_148 = tpu.vector_load_idx %arg8[%add3A_147] : memref<8192xf32, #tpu.memory_space<vmem>>[vector<16xi32>], vector<16xf32>,
      %masked_sort3A_149 = arith.constant dense<true> : vector<16xi1>
      %masked_sort3A_150, %masked_sort3A_151, %masked_sort3A_152 = tpu.sort %gather3A_148, %add3A_147 masked %masked_sort3A_149 : (vector<16xf32>, vector<16xi32>, vector<16xi1>) -> (vector<16xi1>, vector<16xf32>, vector<16xi32>)
      %rev3A_153 = arith.constant 15 : i32
      %rev3A_154 = vector.broadcast %rev3A_153 : i32 to vector<16xi32>
      %rev3A_155 = tpu.iota {dimensions = array<i32: 0>} : vector<16xi32>
      %rev3A_156 = arith.subi %rev3A_154, %rev3A_155 : vector<16xi32>
      %rev3A_157 = tpu.dynamic_gather %masked_sort3A_151[%rev3A_156] in [0] : vector<16xf32>, vector<16xi32> -> vector<16xf32>
      %rev3A_158 = arith.constant 15 : i32
      %rev3A_159 = vector.broadcast %rev3A_158 : i32 to vector<16xi32>
      %rev3A_160 = tpu.iota {dimensions = array<i32: 0>} : vector<16xi32>
      %rev3A_161 = arith.subi %rev3A_159, %rev3A_160 : vector<16xi32>
      %rev3A_162 = tpu.dynamic_gather %masked_sort3A_152[%rev3A_161] in [0] : vector<16xi32>, vector<16xi32> -> vector<16xi32>
      %le3A_163 = arith.cmpf ole, %masked_sort3A_143, %rev3A_157 : vector<16xf32>
      %select_n3A_164 = arith.select %le3A_163, %masked_sort3A_143, %rev3A_157 : vector<16xi1>, vector<16xf32>
      %select_n3A_165 = arith.select %le3A_163, %masked_sort3A_144, %rev3A_162 : vector<16xi1>, vector<16xi32>
      %masked_sort3A_166 = arith.constant dense<true> : vector<16xi1>
      %masked_sort3A_167, %masked_sort3A_168, %masked_sort3A_169 = tpu.sort %select_n3A_164, %select_n3A_165 masked %masked_sort3A_166 : (vector<16xf32>, vector<16xi32>, vector<16xi1>) -> (vector<16xi1>, vector<16xf32>, vector<16xi32>)
      %add3A_170 = arith.constant 3072 : i32
      %add3A_171 = vector.broadcast %add3A_170 : i32 to vector<16xi32>
      %add3A_172 = arith.addi %get3A_40, %add3A_171 : vector<16xi32>
      %gather3A_173 = tpu.vector_load_idx %arg8[%add3A_172] : memref<8192xf32, #tpu.memory_space<vmem>>[vector<16xi32>], vector<16xf32>,
      %masked_sort3A_174 = arith.constant dense<true> : vector<16xi1>
      %masked_sort3A_175, %masked_sort3A_176, %masked_sort3A_177 = tpu.sort %gather3A_173, %add3A_172 masked %masked_sort3A_174 : (vector<16xf32>, vector<16xi32>, vector<16xi1>) -> (vector<16xi1>, vector<16xf32>, vector<16xi32>)
      %rev3A_178 = arith.constant 15 : i32
      %rev3A_179 = vector.broadcast %rev3A_178 : i32 to vector<16xi32>
      %rev3A_180 = tpu.iota {dimensions = array<i32: 0>} : vector<16xi32>
      %rev3A_181 = arith.subi %rev3A_179, %rev3A_180 : vector<16xi32>
      %rev3A_182 = tpu.dynamic_gather %masked_sort3A_176[%rev3A_181] in [0] : vector<16xf32>, vector<16xi32> -> vector<16xf32>
      %rev3A_183 = arith.constant 15 : i32
      %rev3A_184 = vector.broadcast %rev3A_183 : i32 to vector<16xi32>
      %rev3A_185 = tpu.iota {dimensions = array<i32: 0>} : vector<16xi32>
      %rev3A_186 = arith.subi %rev3A_184, %rev3A_185 : vector<16xi32>
      %rev3A_187 = tpu.dynamic_gather %masked_sort3A_177[%rev3A_186] in [0] : vector<16xi32>, vector<16xi32> -> vector<16xi32>
      %le3A_188 = arith.cmpf ole, %masked_sort3A_168, %rev3A_182 : vector<16xf32>
      %select_n3A_189 = arith.select %le3A_188, %masked_sort3A_168, %rev3A_182 : vector<16xi1>, vector<16xf32>
      %select_n3A_190 = arith.select %le3A_188, %masked_sort3A_169, %rev3A_187 : vector<16xi1>, vector<16xi32>
      %masked_sort3A_191 = arith.constant dense<true> : vector<16xi1>
      %masked_sort3A_192, %masked_sort3A_193, %masked_sort3A_194 = tpu.sort %select_n3A_189, %select_n3A_190 masked %masked_sort3A_191 : (vector<16xf32>, vector<16xi32>, vector<16xi1>) -> (vector<16xi1>, vector<16xf32>, vector<16xi32>)
      %add3A_195 = arith.constant 3584 : i32
      %add3A_196 = vector.broadcast %add3A_195 : i32 to vector<16xi32>
      %add3A_197 = arith.addi %get3A_40, %add3A_196 : vector<16xi32>
      %gather3A_198 = tpu.vector_load_idx %arg8[%add3A_197] : memref<8192xf32, #tpu.memory_space<vmem>>[vector<16xi32>], vector<16xf32>,
      %masked_sort3A_199 = arith.constant dense<true> : vector<16xi1>
      %masked_sort3A_200, %masked_sort3A_201, %masked_sort3A_202 = tpu.sort %gather3A_198, %add3A_197 masked %masked_sort3A_199 : (vector<16xf32>, vector<16xi32>, vector<16xi1>) -> (vector<16xi1>, vector<16xf32>, vector<16xi32>)
      %rev3A_203 = arith.constant 15 : i32
      %rev3A_204 = vector.broadcast %rev3A_203 : i32 to vector<16xi32>
      %rev3A_205 = tpu.iota {dimensions = array<i32: 0>} : vector<16xi32>
      %rev3A_206 = arith.subi %rev3A_204, %rev3A_205 : vector<16xi32>
      %rev3A_207 = tpu.dynamic_gather %masked_sort3A_201[%rev3A_206] in [0] : vector<16xf32>, vector<16xi32> -> vector<16xf32>
      %rev3A_208 = arith.constant 15 : i32
      %rev3A_209 = vector.broadcast %rev3A_208 : i32 to vector<16xi32>
      %rev3A_210 = tpu.iota {dimensions = array<i32: 0>} : vector<16xi32>
      %rev3A_211 = arith.subi %rev3A_209, %rev3A_210 : vector<16xi32>
      %rev3A_212 = tpu.dynamic_gather %masked_sort3A_202[%rev3A_211] in [0] : vector<16xi32>, vector<16xi32> -> vector<16xi32>
      %le3A_213 = arith.cmpf ole, %masked_sort3A_193, %rev3A_207 : vector<16xf32>
      %select_n3A_214 = arith.select %le3A_213, %masked_sort3A_193, %rev3A_207 : vector<16xi1>, vector<16xf32>
      %select_n3A_215 = arith.select %le3A_213, %masked_sort3A_194, %rev3A_212 : vector<16xi1>, vector<16xi32>
      %masked_sort3A_216 = arith.constant dense<true> : vector<16xi1>
      %masked_sort3A_217, %masked_sort3A_218, %masked_sort3A_219 = tpu.sort %select_n3A_214, %select_n3A_215 masked %masked_sort3A_216 : (vector<16xf32>, vector<16xi32>, vector<16xi1>) -> (vector<16xi1>, vector<16xf32>, vector<16xi32>)
      %add3A_220 = arith.constant 4096 : i32
      %add3A_221 = vector.broadcast %add3A_220 : i32 to vector<16xi32>
      %add3A_222 = arith.addi %get3A_40, %add3A_221 : vector<16xi32>
      %gather3A_223 = tpu.vector_load_idx %arg8[%add3A_222] : memref<8192xf32, #tpu.memory_space<vmem>>[vector<16xi32>], vector<16xf32>,
      %masked_sort3A_224 = arith.constant dense<true> : vector<16xi1>
      %masked_sort3A_225, %masked_sort3A_226, %masked_sort3A_227 = tpu.sort %gather3A_223, %add3A_222 masked %masked_sort3A_224 : (vector<16xf32>, vector<16xi32>, vector<16xi1>) -> (vector<16xi1>, vector<16xf32>, vector<16xi32>)
      %rev3A_228 = arith.constant 15 : i32
      %rev3A_229 = vector.broadcast %rev3A_228 : i32 to vector<16xi32>
      %rev3A_230 = tpu.iota {dimensions = array<i32: 0>} : vector<16xi32>
      %rev3A_231 = arith.subi %rev3A_229, %rev3A_230 : vector<16xi32>
      %rev3A_232 = tpu.dynamic_gather %masked_sort3A_226[%rev3A_231] in [0] : vector<16xf32>, vector<16xi32> -> vector<16xf32>
      %rev3A_233 = arith.constant 15 : i32
      %rev3A_234 = vector.broadcast %rev3A_233 : i32 to vector<16xi32>
      %rev3A_235 = tpu.iota {dimensions = array<i32: 0>} : vector<16xi32>
      %rev3A_236 = arith.subi %rev3A_234, %rev3A_235 : vector<16xi32>
      %rev3A_237 = tpu.dynamic_gather %masked_sort3A_227[%rev3A_236] in [0] : vector<16xi32>, vector<16xi32> -> vector<16xi32>
      %le3A_238 = arith.cmpf ole, %masked_sort3A_218, %rev3A_232 : vector<16xf32>
      %select_n3A_239 = arith.select %le3A_238, %masked_sort3A_218, %rev3A_232 : vector<16xi1>, vector<16xf32>
      %select_n3A_240 = arith.select %le3A_238, %masked_sort3A_219, %rev3A_237 : vector<16xi1>, vector<16xi32>
      %masked_sort3A_241 = arith.constant dense<true> : vector<16xi1>
      %masked_sort3A_242, %masked_sort3A_243, %masked_sort3A_244 = tpu.sort %select_n3A_239, %select_n3A_240 masked %masked_sort3A_241 : (vector<16xf32>, vector<16xi32>, vector<16xi1>) -> (vector<16xi1>, vector<16xf32>, vector<16xi32>)
      %add3A_245 = arith.constant 4608 : i32
      %add3A_246 = vector.broadcast %add3A_245 : i32 to vector<16xi32>
      %add3A_247 = arith.addi %get3A_40, %add3A_246 : vector<16xi32>
      %gather3A_248 = tpu.vector_load_idx %arg8[%add3A_247] : memref<8192xf32, #tpu.memory_space<vmem>>[vector<16xi32>], vector<16xf32>,
      %masked_sort3A_249 = arith.constant dense<true> : vector<16xi1>
      %masked_sort3A_250, %masked_sort3A_251, %masked_sort3A_252 = tpu.sort %gather3A_248, %add3A_247 masked %masked_sort3A_249 : (vector<16xf32>, vector<16xi32>, vector<16xi1>) -> (vector<16xi1>, vector<16xf32>, vector<16xi32>)
      %rev3A_253 = arith.constant 15 : i32
      %rev3A_254 = vector.broadcast %rev3A_253 : i32 to vector<16xi32>
      %rev3A_255 = tpu.iota {dimensions = array<i32: 0>} : vector<16xi32>
      %rev3A_256 = arith.subi %rev3A_254, %rev3A_255 : vector<16xi32>
      %rev3A_257 = tpu.dynamic_gather %masked_sort3A_251[%rev3A_256] in [0] : vector<16xf32>, vector<16xi32> -> vector<16xf32>
      %rev3A_258 = arith.constant 15 : i32
      %rev3A_259 = vector.broadcast %rev3A_258 : i32 to vector<16xi32>
      %rev3A_260 = tpu.iota {dimensions = array<i32: 0>} : vector<16xi32>
      %rev3A_261 = arith.subi %rev3A_259, %rev3A_260 : vector<16xi32>
      %rev3A_262 = tpu.dynamic_gather %masked_sort3A_252[%rev3A_261] in [0] : vector<16xi32>, vector<16xi32> -> vector<16xi32>
      %le3A_263 = arith.cmpf ole, %masked_sort3A_243, %rev3A_257 : vector<16xf32>
      %select_n3A_264 = arith.select %le3A_263, %masked_sort3A_243, %rev3A_257 : vector<16xi1>, vector<16xf32>
      %select_n3A_265 = arith.select %le3A_263, %masked_sort3A_244, %rev3A_262 : vector<16xi1>, vector<16xi32>
      %masked_sort3A_266 = arith.constant dense<true> : vector<16xi1>
      %masked_sort3A_267, %masked_sort3A_268, %masked_sort3A_269 = tpu.sort %select_n3A_264, %select_n3A_265 masked %masked_sort3A_266 : (vector<16xf32>, vector<16xi32>, vector<16xi1>) -> (vector<16xi1>, vector<16xf32>, vector<16xi32>)
      %add3A_270 = arith.constant 5120 : i32
      %add3A_271 = vector.broadcast %add3A_270 : i32 to vector<16xi32>
      %add3A_272 = arith.addi %get3A_40, %add3A_271 : vector<16xi32>
      %gather3A_273 = tpu.vector_load_idx %arg8[%add3A_272] : memref<8192xf32, #tpu.memory_space<vmem>>[vector<16xi32>], vector<16xf32>,
      %masked_sort3A_274 = arith.constant dense<true> : vector<16xi1>
      %masked_sort3A_275, %masked_sort3A_276, %masked_sort3A_277 = tpu.sort %gather3A_273, %add3A_272 masked %masked_sort3A_274 : (vector<16xf32>, vector<16xi32>, vector<16xi1>) -> (vector<16xi1>, vector<16xf32>, vector<16xi32>)
      %rev3A_278 = arith.constant 15 : i32
      %rev3A_279 = vector.broadcast %rev3A_278 : i32 to vector<16xi32>
      %rev3A_280 = tpu.iota {dimensions = array<i32: 0>} : vector<16xi32>
      %rev3A_281 = arith.subi %rev3A_279, %rev3A_280 : vector<16xi32>
      %rev3A_282 = tpu.dynamic_gather %masked_sort3A_276[%rev3A_281] in [0] : vector<16xf32>, vector<16xi32> -> vector<16xf32>
      %rev3A_283 = arith.constant 15 : i32
      %rev3A_284 = vector.broadcast %rev3A_283 : i32 to vector<16xi32>
      %rev3A_285 = tpu.iota {dimensions = array<i32: 0>} : vector<16xi32>
      %rev3A_286 = arith.subi %rev3A_284, %rev3A_285 : vector<16xi32>
      %rev3A_287 = tpu.dynamic_gather %masked_sort3A_277[%rev3A_286] in [0] : vector<16xi32>, vector<16xi32> -> vector<16xi32>
      %le3A_288 = arith.cmpf ole, %masked_sort3A_268, %rev3A_282 : vector<16xf32>
      %select_n3A_289 = arith.select %le3A_288, %masked_sort3A_268, %rev3A_282 : vector<16xi1>, vector<16xf32>
      %select_n3A_290 = arith.select %le3A_288, %masked_sort3A_269, %rev3A_287 : vector<16xi1>, vector<16xi32>
      %masked_sort3A_291 = arith.constant dense<true> : vector<16xi1>
      %masked_sort3A_292, %masked_sort3A_293, %masked_sort3A_294 = tpu.sort %select_n3A_289, %select_n3A_290 masked %masked_sort3A_291 : (vector<16xf32>, vector<16xi32>, vector<16xi1>) -> (vector<16xi1>, vector<16xf32>, vector<16xi32>)
      %add3A_295 = arith.constant 5632 : i32
      %add3A_296 = vector.broadcast %add3A_295 : i32 to vector<16xi32>
      %add3A_297 = arith.addi %get3A_40, %add3A_296 : vector<16xi32>
      %gather3A_298 = tpu.vector_load_idx %arg8[%add3A_297] : memref<8192xf32, #tpu.memory_space<vmem>>[vector<16xi32>], vector<16xf32>,
      %masked_sort3A_299 = arith.constant dense<true> : vector<16xi1>
      %masked_sort3A_300, %masked_sort3A_301, %masked_sort3A_302 = tpu.sort %gather3A_298, %add3A_297 masked %masked_sort3A_299 : (vector<16xf32>, vector<16xi32>, vector<16xi1>) -> (vector<16xi1>, vector<16xf32>, vector<16xi32>)
      %rev3A_303 = arith.constant 15 : i32
      %rev3A_304 = vector.broadcast %rev3A_303 : i32 to vector<16xi32>
      %rev3A_305 = tpu.iota {dimensions = array<i32: 0>} : vector<16xi32>
      %rev3A_306 = arith.subi %rev3A_304, %rev3A_305 : vector<16xi32>
      %rev3A_307 = tpu.dynamic_gather %masked_sort3A_301[%rev3A_306] in [0] : vector<16xf32>, vector<16xi32> -> vector<16xf32>
      %rev3A_308 = arith.constant 15 : i32
      %rev3A_309 = vector.broadcast %rev3A_308 : i32 to vector<16xi32>
      %rev3A_310 = tpu.iota {dimensions = array<i32: 0>} : vector<16xi32>
      %rev3A_311 = arith.subi %rev3A_309, %rev3A_310 : vector<16xi32>
      %rev3A_312 = tpu.dynamic_gather %masked_sort3A_302[%rev3A_311] in [0] : vector<16xi32>, vector<16xi32> -> vector<16xi32>
      %le3A_313 = arith.cmpf ole, %masked_sort3A_293, %rev3A_307 : vector<16xf32>
      %select_n3A_314 = arith.select %le3A_313, %masked_sort3A_293, %rev3A_307 : vector<16xi1>, vector<16xf32>
      %select_n3A_315 = arith.select %le3A_313, %masked_sort3A_294, %rev3A_312 : vector<16xi1>, vector<16xi32>
      %masked_sort3A_316 = arith.constant dense<true> : vector<16xi1>
      %masked_sort3A_317, %masked_sort3A_318, %masked_sort3A_319 = tpu.sort %select_n3A_314, %select_n3A_315 masked %masked_sort3A_316 : (vector<16xf32>, vector<16xi32>, vector<16xi1>) -> (vector<16xi1>, vector<16xf32>, vector<16xi32>)
      %add3A_320 = arith.constant 6144 : i32
      %add3A_321 = vector.broadcast %add3A_320 : i32 to vector<16xi32>
      %add3A_322 = arith.addi %get3A_40, %add3A_321 : vector<16xi32>
      %gather3A_323 = tpu.vector_load_idx %arg8[%add3A_322] : memref<8192xf32, #tpu.memory_space<vmem>>[vector<16xi32>], vector<16xf32>,
      %masked_sort3A_324 = arith.constant dense<true> : vector<16xi1>
      %masked_sort3A_325, %masked_sort3A_326, %masked_sort3A_327 = tpu.sort %gather3A_323, %add3A_322 masked %masked_sort3A_324 : (vector<16xf32>, vector<16xi32>, vector<16xi1>) -> (vector<16xi1>, vector<16xf32>, vector<16xi32>)
      %rev3A_328 = arith.constant 15 : i32
      %rev3A_329 = vector.broadcast %rev3A_328 : i32 to vector<16xi32>
      %rev3A_330 = tpu.iota {dimensions = array<i32: 0>} : vector<16xi32>
      %rev3A_331 = arith.subi %rev3A_329, %rev3A_330 : vector<16xi32>
      %rev3A_332 = tpu.dynamic_gather %masked_sort3A_326[%rev3A_331] in [0] : vector<16xf32>, vector<16xi32> -> vector<16xf32>
      %rev3A_333 = arith.constant 15 : i32
      %rev3A_334 = vector.broadcast %rev3A_333 : i32 to vector<16xi32>
      %rev3A_335 = tpu.iota {dimensions = array<i32: 0>} : vector<16xi32>
      %rev3A_336 = arith.subi %rev3A_334, %rev3A_335 : vector<16xi32>
      %rev3A_337 = tpu.dynamic_gather %masked_sort3A_327[%rev3A_336] in [0] : vector<16xi32>, vector<16xi32> -> vector<16xi32>
      %le3A_338 = arith.cmpf ole, %masked_sort3A_318, %rev3A_332 : vector<16xf32>
      %select_n3A_339 = arith.select %le3A_338, %masked_sort3A_318, %rev3A_332 : vector<16xi1>, vector<16xf32>
      %select_n3A_340 = arith.select %le3A_338, %masked_sort3A_319, %rev3A_337 : vector<16xi1>, vector<16xi32>
      %masked_sort3A_341 = arith.constant dense<true> : vector<16xi1>
      %masked_sort3A_342, %masked_sort3A_343, %masked_sort3A_344 = tpu.sort %select_n3A_339, %select_n3A_340 masked %masked_sort3A_341 : (vector<16xf32>, vector<16xi32>, vector<16xi1>) -> (vector<16xi1>, vector<16xf32>, vector<16xi32>)
      %add3A_345 = arith.constant 6656 : i32
      %add3A_346 = vector.broadcast %add3A_345 : i32 to vector<16xi32>
      %add3A_347 = arith.addi %get3A_40, %add3A_346 : vector<16xi32>
      %gather3A_348 = tpu.vector_load_idx %arg8[%add3A_347] : memref<8192xf32, #tpu.memory_space<vmem>>[vector<16xi32>], vector<16xf32>,
      %masked_sort3A_349 = arith.constant dense<true> : vector<16xi1>
      %masked_sort3A_350, %masked_sort3A_351, %masked_sort3A_352 = tpu.sort %gather3A_348, %add3A_347 masked %masked_sort3A_349 : (vector<16xf32>, vector<16xi32>, vector<16xi1>) -> (vector<16xi1>, vector<16xf32>, vector<16xi32>)
      %rev3A_353 = arith.constant 15 : i32
      %rev3A_354 = vector.broadcast %rev3A_353 : i32 to vector<16xi32>
      %rev3A_355 = tpu.iota {dimensions = array<i32: 0>} : vector<16xi32>
      %rev3A_356 = arith.subi %rev3A_354, %rev3A_355 : vector<16xi32>
      %rev3A_357 = tpu.dynamic_gather %masked_sort3A_351[%rev3A_356] in [0] : vector<16xf32>, vector<16xi32> -> vector<16xf32>
      %rev3A_358 = arith.constant 15 : i32
      %rev3A_359 = vector.broadcast %rev3A_358 : i32 to vector<16xi32>
      %rev3A_360 = tpu.iota {dimensions = array<i32: 0>} : vector<16xi32>
      %rev3A_361 = arith.subi %rev3A_359, %rev3A_360 : vector<16xi32>
      %rev3A_362 = tpu.dynamic_gather %masked_sort3A_352[%rev3A_361] in [0] : vector<16xi32>, vector<16xi32> -> vector<16xi32>
      %le3A_363 = arith.cmpf ole, %masked_sort3A_343, %rev3A_357 : vector<16xf32>
      %select_n3A_364 = arith.select %le3A_363, %masked_sort3A_343, %rev3A_357 : vector<16xi1>, vector<16xf32>
      %select_n3A_365 = arith.select %le3A_363, %masked_sort3A_344, %rev3A_362 : vector<16xi1>, vector<16xi32>
      %masked_sort3A_366 = arith.constant dense<true> : vector<16xi1>
      %masked_sort3A_367, %masked_sort3A_368, %masked_sort3A_369 = tpu.sort %select_n3A_364, %select_n3A_365 masked %masked_sort3A_366 : (vector<16xf32>, vector<16xi32>, vector<16xi1>) -> (vector<16xi1>, vector<16xf32>, vector<16xi32>)
      %add3A_370 = arith.constant 7168 : i32
      %add3A_371 = vector.broadcast %add3A_370 : i32 to vector<16xi32>
      %add3A_372 = arith.addi %get3A_40, %add3A_371 : vector<16xi32>
      %gather3A_373 = tpu.vector_load_idx %arg8[%add3A_372] : memref<8192xf32, #tpu.memory_space<vmem>>[vector<16xi32>], vector<16xf32>,
      %masked_sort3A_374 = arith.constant dense<true> : vector<16xi1>
      %masked_sort3A_375, %masked_sort3A_376, %masked_sort3A_377 = tpu.sort %gather3A_373, %add3A_372 masked %masked_sort3A_374 : (vector<16xf32>, vector<16xi32>, vector<16xi1>) -> (vector<16xi1>, vector<16xf32>, vector<16xi32>)
      %rev3A_378 = arith.constant 15 : i32
      %rev3A_379 = vector.broadcast %rev3A_378 : i32 to vector<16xi32>
      %rev3A_380 = tpu.iota {dimensions = array<i32: 0>} : vector<16xi32>
      %rev3A_381 = arith.subi %rev3A_379, %rev3A_380 : vector<16xi32>
      %rev3A_382 = tpu.dynamic_gather %masked_sort3A_376[%rev3A_381] in [0] : vector<16xf32>, vector<16xi32> -> vector<16xf32>
      %rev3A_383 = arith.constant 15 : i32
      %rev3A_384 = vector.broadcast %rev3A_383 : i32 to vector<16xi32>
      %rev3A_385 = tpu.iota {dimensions = array<i32: 0>} : vector<16xi32>
      %rev3A_386 = arith.subi %rev3A_384, %rev3A_385 : vector<16xi32>
      %rev3A_387 = tpu.dynamic_gather %masked_sort3A_377[%rev3A_386] in [0] : vector<16xi32>, vector<16xi32> -> vector<16xi32>
      %le3A_388 = arith.cmpf ole, %masked_sort3A_368, %rev3A_382 : vector<16xf32>
      %select_n3A_389 = arith.select %le3A_388, %masked_sort3A_368, %rev3A_382 : vector<16xi1>, vector<16xf32>
      %select_n3A_390 = arith.select %le3A_388, %masked_sort3A_369, %rev3A_387 : vector<16xi1>, vector<16xi32>
      %masked_sort3A_391 = arith.constant dense<true> : vector<16xi1>
      %masked_sort3A_392, %masked_sort3A_393, %masked_sort3A_394 = tpu.sort %select_n3A_389, %select_n3A_390 masked %masked_sort3A_391 : (vector<16xf32>, vector<16xi32>, vector<16xi1>) -> (vector<16xi1>, vector<16xf32>, vector<16xi32>)
      %add3A_395 = arith.constant 7680 : i32
      %add3A_396 = vector.broadcast %add3A_395 : i32 to vector<16xi32>
      %add3A_397 = arith.addi %get3A_40, %add3A_396 : vector<16xi32>
      %gather3A_398 = tpu.vector_load_idx %arg8[%add3A_397] : memref<8192xf32, #tpu.memory_space<vmem>>[vector<16xi32>], vector<16xf32>,
      %masked_sort3A_399 = arith.constant dense<true> : vector<16xi1>
      %masked_sort3A_400, %masked_sort3A_401, %masked_sort3A_402 = tpu.sort %gather3A_398, %add3A_397 masked %masked_sort3A_399 : (vector<16xf32>, vector<16xi32>, vector<16xi1>) -> (vector<16xi1>, vector<16xf32>, vector<16xi32>)
      %rev3A_403 = arith.constant 15 : i32
      %rev3A_404 = vector.broadcast %rev3A_403 : i32 to vector<16xi32>
      %rev3A_405 = tpu.iota {dimensions = array<i32: 0>} : vector<16xi32>
      %rev3A_406 = arith.subi %rev3A_404, %rev3A_405 : vector<16xi32>
      %rev3A_407 = tpu.dynamic_gather %masked_sort3A_401[%rev3A_406] in [0] : vector<16xf32>, vector<16xi32> -> vector<16xf32>
      %rev3A_408 = arith.constant 15 : i32
      %rev3A_409 = vector.broadcast %rev3A_408 : i32 to vector<16xi32>
      %rev3A_410 = tpu.iota {dimensions = array<i32: 0>} : vector<16xi32>
      %rev3A_411 = arith.subi %rev3A_409, %rev3A_410 : vector<16xi32>
      %rev3A_412 = tpu.dynamic_gather %masked_sort3A_402[%rev3A_411] in [0] : vector<16xi32>, vector<16xi32> -> vector<16xi32>
      %le3A_413 = arith.cmpf ole, %masked_sort3A_393, %rev3A_407 : vector<16xf32>
      %select_n3A_414 = arith.select %le3A_413, %masked_sort3A_393, %rev3A_407 : vector<16xi1>, vector<16xf32>
      %select_n3A_415 = arith.select %le3A_413, %masked_sort3A_394, %rev3A_412 : vector<16xi1>, vector<16xi32>
      %masked_sort3A_416 = arith.constant dense<true> : vector<16xi1>
      %masked_sort3A_417, %masked_sort3A_418, %masked_sort3A_419 = tpu.sort %select_n3A_414, %select_n3A_415 masked %masked_sort3A_416 : (vector<16xf32>, vector<16xi32>, vector<16xi1>) -> (vector<16xi1>, vector<16xf32>, vector<16xi32>)
      %mul3A_420 = arith.constant 8192 : i32
      %mul3A_421 = arith.muli %select_n3A, %mul3A_420 : i32
      %add3A_422 = vector.broadcast %mul3A_421 : i32 to vector<16xi32>
      %add3A_423 = arith.addi %masked_sort3A_419, %add3A_422 : vector<16xi32>
      %swap3A = arith.constant 0 : index
      %swap3A_424 = tpu.vector_load %arg12[%swap3A] {strides = array<i32>} : memref<16xi32, #tpu.memory_space<vmem>>, vector<16xi32>,
      tpu.vector_store %arg12[%swap3A], %add3A_423 {strides = array<i32>} : memref<16xi32, #tpu.memory_space<vmem>>, vector<16xi32>,
      %iota3A = tpu.iota {dimensions = array<i32: 0>} : vector<16xi32>
      %mul3A_425 = arith.constant 4096 : i32
      %mul3A_426 = vector.broadcast %mul3A_425 : i32 to vector<16xi32>
      %mul3A_427 = arith.muli %iota3A, %mul3A_426 : vector<16xi32>
      %add3A_428 = vector.broadcast %add3A_27 : i32 to vector<16xi32>
      %add3A_429 = arith.addi %mul3A_427, %add3A_428 : vector<16xi32>
      %swap3A_430 = arith.constant 0 : index
      %swap3A_431 = tpu.vector_load %arg13[%swap3A_430] {strides = array<i32>} : memref<16xi32, #tpu.memory_space<vmem>>, vector<16xi32>,
      tpu.vector_store %arg13[%swap3A_430], %add3A_429 {strides = array<i32>} : memref<16xi32, #tpu.memory_space<vmem>>, vector<16xi32>,
      %dma_start3A_432 = arith.constant 0 : i32
      %dma_start3A_433 = arith.constant 0 : i32
      %dma_start3A_434 = tpu.memref_slice %arg4[%dma_start3A_432, %dma_start3A_433] : memref<16384x512xf32, #tpu.memory_space<hbm>> -> memref<16384x512xf32, #tpu.memory_space<hbm>>
      tpu.enqueue_indirect_dma source(%dma_start3A_434 : memref<16384x512xf32, #tpu.memory_space<hbm>>) target(%arg10 : memref<16x512xf32, #tpu.memory_space<vmem>>) offsets(%arg12 : memref<16xi32, #tpu.memory_space<vmem>>) semaphore(%arg15 : memref<!tpu.dma_semaphore, #tpu.memory_space<semaphore_mem>>)
      %dma_wait3A_435 = arith.constant 0 : i32
      %dma_wait3A_436 = arith.constant 0 : i32
      %dma_wait3A_437 = tpu.memref_slice %arg4[%dma_wait3A_435, %dma_wait3A_436] : memref<16384x512xf32, #tpu.memory_space<hbm>> -> memref<16384x512xf32, #tpu.memory_space<hbm>>
      tpu.wait_indirect_dma semaphore(%arg15 : memref<!tpu.dma_semaphore, #tpu.memory_space<semaphore_mem>>) src(%dma_wait3A_437 : memref<16384x512xf32, #tpu.memory_space<hbm>>) dst(%arg10 : memref<16x512xf32, #tpu.memory_space<vmem>>)
      %dma_start3A_438 = arith.constant 0 : i32
      %dma_start3A_439 = arith.constant 0 : i32
      %dma_start3A_440 = tpu.memref_slice %arg5[%dma_start3A_438, %dma_start3A_439] : memref<16384x512xf32, #tpu.memory_space<hbm>> -> memref<16384x512xf32, #tpu.memory_space<hbm>>
      tpu.enqueue_indirect_dma source(%dma_start3A_440 : memref<16384x512xf32, #tpu.memory_space<hbm>>) target(%arg11 : memref<16x512xf32, #tpu.memory_space<vmem>>) offsets(%arg12 : memref<16xi32, #tpu.memory_space<vmem>>) semaphore(%arg16 : memref<!tpu.dma_semaphore, #tpu.memory_space<semaphore_mem>>)
      %dma_wait3A_441 = arith.constant 0 : i32
      %dma_wait3A_442 = arith.constant 0 : i32
      %dma_wait3A_443 = tpu.memref_slice %arg5[%dma_wait3A_441, %dma_wait3A_442] : memref<16384x512xf32, #tpu.memory_space<hbm>> -> memref<16384x512xf32, #tpu.memory_space<hbm>>
      tpu.wait_indirect_dma semaphore(%arg16 : memref<!tpu.dma_semaphore, #tpu.memory_space<semaphore_mem>>) src(%dma_wait3A_443 : memref<16384x512xf32, #tpu.memory_space<hbm>>) dst(%arg11 : memref<16x512xf32, #tpu.memory_space<vmem>>)
      %dma_start3A_444 = arith.constant 0 : i32
      %dma_start3A_445 = arith.constant 0 : i32
      %dma_start3A_446 = tpu.memref_slice %arg6[%dma_start3A_444, %dma_start3A_445] : memref<65536x512xf32, #tpu.memory_space<hbm>> -> memref<65536x512xf32, #tpu.memory_space<hbm>>
      tpu.enqueue_indirect_dma source(%arg10 : memref<16x512xf32, #tpu.memory_space<vmem>>) target(%dma_start3A_446 : memref<65536x512xf32, #tpu.memory_space<hbm>>) offsets(%arg13 : memref<16xi32, #tpu.memory_space<vmem>>) semaphore(%arg15 : memref<!tpu.dma_semaphore, #tpu.memory_space<semaphore_mem>>)
      %dma_wait3A_447 = arith.constant 0 : i32
      %dma_wait3A_448 = arith.constant 0 : i32
      %dma_wait3A_449 = tpu.memref_slice %arg6[%dma_wait3A_447, %dma_wait3A_448] : memref<65536x512xf32, #tpu.memory_space<hbm>> -> memref<65536x512xf32, #tpu.memory_space<hbm>>
      tpu.wait_indirect_dma semaphore(%arg15 : memref<!tpu.dma_semaphore, #tpu.memory_space<semaphore_mem>>) src(%arg10 : memref<16x512xf32, #tpu.memory_space<vmem>>) dst(%dma_wait3A_449 : memref<65536x512xf32, #tpu.memory_space<hbm>>)
      %dma_start3A_450 = arith.constant 0 : i32
      %dma_start3A_451 = arith.constant 0 : i32
      %dma_start3A_452 = tpu.memref_slice %arg7[%dma_start3A_450, %dma_start3A_451] : memref<65536x512xf32, #tpu.memory_space<hbm>> -> memref<65536x512xf32, #tpu.memory_space<hbm>>
      tpu.enqueue_indirect_dma source(%arg11 : memref<16x512xf32, #tpu.memory_space<vmem>>) target(%dma_start3A_452 : memref<65536x512xf32, #tpu.memory_space<hbm>>) offsets(%arg13 : memref<16xi32, #tpu.memory_space<vmem>>) semaphore(%arg16 : memref<!tpu.dma_semaphore, #tpu.memory_space<semaphore_mem>>)
      %dma_wait3A_453 = arith.constant 0 : i32
      %dma_wait3A_454 = arith.constant 0 : i32
      %dma_wait3A_455 = tpu.memref_slice %arg7[%dma_wait3A_453, %dma_wait3A_454] : memref<65536x512xf32, #tpu.memory_space<hbm>> -> memref<65536x512xf32, #tpu.memory_space<hbm>>
      tpu.wait_indirect_dma semaphore(%arg16 : memref<!tpu.dma_semaphore, #tpu.memory_space<semaphore_mem>>) src(%arg11 : memref<16x512xf32, #tpu.memory_space<vmem>>) dst(%dma_wait3A_455 : memref<65536x512xf32, #tpu.memory_space<hbm>>)
    }
    %scan3A_23 = arith.constant 128 : i32
    return
  }
}

module attributes {stable_mosaic.version = 14 : i64} {
  func.func @_chunkmin_kernel(%arg0: i32, %arg1: i32, %arg2: memref<1x128x8xf32, #tpu.memory_space<vmem>>, %arg3: memref<1x8x8192xf32, #tpu.memory_space<vmem>>, %arg4: memref<1x128x512xf32, #tpu.memory_space<vmem>>, %arg5: memref<1x128x8192xf32, #tpu.memory_space<vmem>>) attributes {dimension_semantics = [#tpu.dimension_semantics<arbitrary>, #tpu.dimension_semantics<arbitrary>], iteration_bounds = array<i64: 2, 16>, scalar_prefetch = 0 : i64, scratch_operands = 0 : i64, tpu.core_type = #tpu.core_type<tc>, window_params = [{transform_indices = @transform_0, window_bounds = array<i64: 1, 128, 8>}, {transform_indices = @transform_1, window_bounds = array<i64: 1, 8, 8192>}, {transform_indices = @transform_2, window_bounds = array<i64: 1, 128, 512>}, {transform_indices = @transform_3, window_bounds = array<i64: 1, 128, 8192>}]} {
    %get3A = arith.constant 0 : index
    %get3A_0 = arith.constant 0 : index
    %get3A_1 = arith.constant 0 : index
    %get3A_2 = vector.load %arg2[%get3A, %get3A_0, %get3A_1] : memref<1x128x8xf32, #tpu.memory_space<vmem>>, vector<1x128x8xf32>
    %get3A_3 = vector.shape_cast %get3A_2 : vector<1x128x8xf32> to vector<128x8xf32>
    %mul3A = arith.mulf %get3A_3, %get3A_3 : vector<128x8xf32>
    %reduce_sum3A = arith.constant dense<0.000000e+00> : vector<128xf32>
    %reduce_sum3A_4 = vector.multi_reduction <add>, %mul3A, %reduce_sum3A [1] : vector<128x8xf32> to vector<128xf32>
    %broadcast_in_dim3A = vector.shape_cast %reduce_sum3A_4 : vector<128xf32> to vector<128x1xf32>
    %broadcast_in_dim3A_5 = arith.constant 0x7F800000 : f32
    %broadcast_in_dim3A_6 = vector.broadcast %broadcast_in_dim3A_5 : f32 to vector<128x512xf32>
    %scan3A = arith.constant 0 : i32
    %scan3A_7 = arith.constant 16 : i32
    %scan3A_8 = arith.addi %scan3A, %scan3A_7 : i32
    %scan3A_9 = arith.constant 1 : i32
    %scan3A_10 = scf.for %scan3A_17 = %scan3A to %scan3A_8 step %scan3A_9 iter_args(%scan3A_18 = %broadcast_in_dim3A_6) -> (vector<128x512xf32>)  : i32 {
      %mul3A_19 = arith.constant 512 : i32
      %mul3A_20 = arith.muli %scan3A_17, %mul3A_19 : i32
      %get3A_21 = arith.constant 0 : index
      %get3A_22 = arith.constant 0 : index
      %get3A_23 = arith.index_cast %mul3A_20 : i32 to index
      %get3A_24 = vector.load %arg3[%get3A_21, %get3A_22, %get3A_23] : memref<1x8x8192xf32, #tpu.memory_space<vmem>>, vector<1x8x512xf32>
      %get3A_25 = vector.shape_cast %get3A_24 : vector<1x8x512xf32> to vector<8x512xf32>
      %mul3A_26 = arith.mulf %get3A_25, %get3A_25 : vector<8x512xf32>
      %reduce_sum3A_27 = arith.constant dense<0.000000e+00> : vector<512xf32>
      %reduce_sum3A_28 = vector.multi_reduction <add>, %mul3A_26, %reduce_sum3A_27 [0] : vector<8x512xf32> to vector<512xf32>
      %dot_general3A = arith.constant dense<0.000000e+00> : vector<128x512xf32>
      %dot_general3A_29 = tpu.matmul %get3A_3, %get3A_25, %dot_general3A {dimension_numbers = #tpu.dot_dimension_numbers<[1], [0], [0], [1], [0, 0, 1, 1], [], []>, transpose_lhs_hint = false} : vector<128x8xf32>, vector<8x512xf32>, vector<128x512xf32> -> vector<128x512xf32>
      %broadcast_in_dim3A_30 = vector.shape_cast %reduce_sum3A_28 : vector<512xf32> to vector<1x512xf32>
      %add3A = vector.broadcast %broadcast_in_dim3A : vector<128x1xf32> to vector<128x512xf32>
      %add3A_31 = vector.broadcast %broadcast_in_dim3A_30 : vector<1x512xf32> to vector<128x512xf32>
      %add3A_32 = arith.addf %add3A, %add3A_31 : vector<128x512xf32>
      %mul3A_33 = arith.constant 2.000000e+00 : f32
      %mul3A_34 = vector.broadcast %mul3A_33 : f32 to vector<128x512xf32>
      %mul3A_35 = arith.mulf %mul3A_34, %dot_general3A_29 : vector<128x512xf32>
      %sub3A = arith.subf %add3A_32, %mul3A_35 : vector<128x512xf32>
      %mul3A_36 = arith.constant 512 : i32
      %mul3A_37 = arith.muli %scan3A_17, %mul3A_36 : i32
      %swap3A_38 = arith.constant 0 : index
      %swap3A_39 = arith.constant 0 : index
      %swap3A_40 = arith.index_cast %mul3A_37 : i32 to index
      %swap3A_41 = vector.load %arg5[%swap3A_38, %swap3A_39, %swap3A_40] : memref<1x128x8192xf32, #tpu.memory_space<vmem>>, vector<1x128x512xf32>
      %swap3A_42 = vector.shape_cast %swap3A_41 : vector<1x128x512xf32> to vector<128x512xf32>
      %swap3A_43 = vector.shape_cast %sub3A : vector<128x512xf32> to vector<1x128x512xf32>
      tpu.vector_store %arg5[%swap3A_38, %swap3A_39, %swap3A_40], %swap3A_43 {strides = array<i32>} : memref<1x128x8192xf32, #tpu.memory_space<vmem>>, vector<1x128x512xf32>,
      %min3A = arith.minimumf %scan3A_18, %sub3A : vector<128x512xf32>
      scf.yield %min3A : vector<128x512xf32>
    }
    %scan3A_11 = arith.constant 16 : i32
    %swap3A = arith.constant 0 : index
    %swap3A_12 = arith.constant 0 : index
    %swap3A_13 = arith.constant 0 : index
    %swap3A_14 = vector.load %arg4[%swap3A, %swap3A_12, %swap3A_13] : memref<1x128x512xf32, #tpu.memory_space<vmem>>, vector<1x128x512xf32>
    %swap3A_15 = vector.shape_cast %swap3A_14 : vector<1x128x512xf32> to vector<128x512xf32>
    %swap3A_16 = vector.shape_cast %scan3A_10 : vector<128x512xf32> to vector<1x128x512xf32>
    tpu.vector_store %arg4[%swap3A, %swap3A_12, %swap3A_13], %swap3A_16 {strides = array<i32>} : memref<1x128x512xf32, #tpu.memory_space<vmem>>, vector<1x128x512xf32>,
    return
  }
  func.func @transform_0(%arg0: i32, %arg1: i32) -> (i32, i32, i32) {
    %c0_i32 = arith.constant 0 : i32
    %c0_i32_0 = arith.constant 0 : i32
    return %arg0, %arg1, %c0_i32 : i32, i32, i32
  }
  func.func @transform_1(%arg0: i32, %arg1: i32) -> (i32, i32, i32) {
    %c0_i32 = arith.constant 0 : i32
    %c0_i32_0 = arith.constant 0 : i32
    %c0_i32_1 = arith.constant 0 : i32
    return %arg0, %c0_i32, %c0_i32_0 : i32, i32, i32
  }
  func.func @transform_2(%arg0: i32, %arg1: i32) -> (i32, i32, i32) {
    %c0_i32 = arith.constant 0 : i32
    %c0_i32_0 = arith.constant 0 : i32
    return %arg0, %arg1, %c0_i32 : i32, i32, i32
  }
  func.func @transform_3(%arg0: i32, %arg1: i32) -> (i32, i32, i32) {
    %c0_i32 = arith.constant 0 : i32
    %c0_i32_0 = arith.constant 0 : i32
    return %arg0, %arg1, %c0_i32 : i32, i32, i32
  }
}

module attributes {stable_mosaic.version = 14 : i64} {
  func.func @_select_kernel(%arg0: i32, %arg1: i32, %arg2: memref<1x128x512xf32, #tpu.memory_space<vmem>>, %arg3: memref<1x128x16xi32, #tpu.memory_space<vmem>>) attributes {dimension_semantics = [#tpu.dimension_semantics<arbitrary>, #tpu.dimension_semantics<arbitrary>], iteration_bounds = array<i64: 2, 16>, scalar_prefetch = 0 : i64, scratch_operands = 0 : i64, tpu.core_type = #tpu.core_type<tc>, window_params = [{transform_indices = @transform_0, window_bounds = array<i64: 1, 128, 512>}, {transform_indices = @transform_1, window_bounds = array<i64: 1, 128, 16>}]} {
    %get3A = arith.constant 0 : index
    %get3A_0 = arith.constant 0 : index
    %get3A_1 = arith.constant 0 : index
    %get3A_2 = vector.load %arg2[%get3A, %get3A_0, %get3A_1] : memref<1x128x512xf32, #tpu.memory_space<vmem>>, vector<1x128x512xf32>
    %get3A_3 = vector.shape_cast %get3A_2 : vector<1x128x512xf32> to vector<128x512xf32>
    %iota3A = tpu.iota {dimensions = array<i32: 1>} : vector<128x512xi32>
    %iota3A_4 = tpu.iota {dimensions = array<i32: 1>} : vector<128x16xi32>
    %broadcast_in_dim3A = arith.constant 0 : i32
    %broadcast_in_dim3A_5 = vector.broadcast %broadcast_in_dim3A : i32 to vector<128x16xi32>
    %scan3A = arith.constant 0 : i32
    %scan3A_6 = arith.constant 16 : i32
    %scan3A_7 = arith.addi %scan3A, %scan3A_6 : i32
    %scan3A_8 = arith.constant 1 : i32
    %scan3A_9:2 = scf.for %scan3A_16 = %scan3A to %scan3A_7 step %scan3A_8 iter_args(%scan3A_17 = %get3A_3, %scan3A_18 = %broadcast_in_dim3A_5) -> (vector<128x512xf32>, vector<128x16xi32>)  : i32 {
      %reduce_min3A = arith.constant dense<0x7F800000> : vector<128xf32>
      %reduce_min3A_19 = vector.multi_reduction <minimumf>, %scan3A_17, %reduce_min3A [1] : vector<128x512xf32> to vector<128xf32>
      %broadcast_in_dim3A_20 = vector.shape_cast %reduce_min3A_19 : vector<128xf32> to vector<128x1xf32>
      %le3A = vector.broadcast %broadcast_in_dim3A_20 : vector<128x1xf32> to vector<128x512xf32>
      %le3A_21 = arith.cmpf ole, %scan3A_17, %le3A : vector<128x512xf32>
      %jit3A = arith.constant 512 : i32
      %broadcast_in_dim3A_22 = vector.broadcast %jit3A : i32 to vector<128x512xi32>
      %select_n3A = arith.select %le3A_21, %iota3A, %broadcast_in_dim3A_22 : vector<128x512xi1>, vector<128x512xi32>
      %reduce_min3A_23 = arith.constant dense<2147483647> : vector<128xi32>
      %reduce_min3A_24 = vector.multi_reduction <minsi>, %select_n3A, %reduce_min3A_23 [1] : vector<128x512xi32> to vector<128xi32>
      %broadcast_in_dim3A_25 = vector.shape_cast %reduce_min3A_24 : vector<128xi32> to vector<128x1xi32>
      %eq3A = vector.broadcast %scan3A_16 : i32 to vector<128x16xi32>
      %eq3A_26 = arith.cmpi eq, %iota3A_4, %eq3A : vector<128x16xi32>
      %broadcast_in_dim3A_27 = vector.shape_cast %broadcast_in_dim3A_25 : vector<128x1xi32> to vector<128x1xi32>
      %broadcast_in_dim3A_28 = vector.broadcast %broadcast_in_dim3A_27 : vector<128x1xi32> to vector<128x16xi32>
      %select_n3A_29 = arith.select %eq3A_26, %broadcast_in_dim3A_28, %scan3A_18 : vector<128x16xi1>, vector<128x16xi32>
      %eq3A_30 = vector.broadcast %broadcast_in_dim3A_25 : vector<128x1xi32> to vector<128x512xi32>
      %eq3A_31 = arith.cmpi eq, %iota3A, %eq3A_30 : vector<128x512xi32>
      %jit3A_32 = arith.constant 0x7F800000 : f32
      %broadcast_in_dim3A_33 = vector.broadcast %jit3A_32 : f32 to vector<128x512xf32>
      %select_n3A_34 = arith.select %eq3A_31, %broadcast_in_dim3A_33, %scan3A_17 : vector<128x512xi1>, vector<128x512xf32>
      scf.yield %select_n3A_34, %select_n3A_29 : vector<128x512xf32>, vector<128x16xi32>
    }
    %scan3A_10 = arith.constant 16 : i32
    %swap3A = arith.constant 0 : index
    %swap3A_11 = arith.constant 0 : index
    %swap3A_12 = arith.constant 0 : index
    %swap3A_13 = vector.load %arg3[%swap3A, %swap3A_11, %swap3A_12] : memref<1x128x16xi32, #tpu.memory_space<vmem>>, vector<1x128x16xi32>
    %swap3A_14 = vector.shape_cast %swap3A_13 : vector<1x128x16xi32> to vector<128x16xi32>
    %swap3A_15 = vector.shape_cast %scan3A_9#1 : vector<128x16xi32> to vector<1x128x16xi32>
    tpu.vector_store %arg3[%swap3A, %swap3A_11, %swap3A_12], %swap3A_15 {strides = array<i32>} : memref<1x128x16xi32, #tpu.memory_space<vmem>>, vector<1x128x16xi32>,
    return
  }
  func.func @transform_0(%arg0: i32, %arg1: i32) -> (i32, i32, i32) {
    %c0_i32 = arith.constant 0 : i32
    %c0_i32_0 = arith.constant 0 : i32
    return %arg0, %arg1, %c0_i32 : i32, i32, i32
  }
  func.func @transform_1(%arg0: i32, %arg1: i32) -> (i32, i32, i32) {
    %c0_i32 = arith.constant 0 : i32
    %c0_i32_0 = arith.constant 0 : i32
    return %arg0, %arg1, %c0_i32 : i32, i32, i32
  }
}

module attributes {stable_mosaic.version = 14 : i64} {
  func.func @_ctx_encode_kernel(%arg0: i32, %arg1: memref<1024x8xf32, #tpu.memory_space<vmem>>, %arg2: memref<8x256xf32, #tpu.memory_space<vmem>>, %arg3: memref<512x512xf32, #tpu.memory_space<vmem>>, %arg4: memref<1x512xf32, #tpu.memory_space<vmem>>, %arg5: memref<512x512xf32, #tpu.memory_space<vmem>>, %arg6: memref<1x512xf32, #tpu.memory_space<vmem>>, %arg7: memref<512x512xf32, #tpu.memory_space<vmem>>, %arg8: memref<1x512xf32, #tpu.memory_space<vmem>>, %arg9: memref<512x512xf32, #tpu.memory_space<vmem>>, %arg10: memref<1x512xf32, #tpu.memory_space<vmem>>, %arg11: memref<1024x512xf32, #tpu.memory_space<vmem>>, %arg12: memref<1024x512xf32, #tpu.memory_space<vmem>>) attributes {dimension_semantics = [#tpu.dimension_semantics<arbitrary>], iteration_bounds = array<i64: 16>, scalar_prefetch = 0 : i64, scratch_operands = 0 : i64, tpu.core_type = #tpu.core_type<tc>, window_params = [{transform_indices = @transform_0, window_bounds = array<i64: 1024, 8>}, {pipeline_mode = #tpu.pipeline_mode<synchronous>, transform_indices = @transform_1, window_bounds = array<i64: 8, 256>}, {pipeline_mode = #tpu.pipeline_mode<synchronous>, transform_indices = @transform_2, window_bounds = array<i64: 512, 512>}, {pipeline_mode = #tpu.pipeline_mode<synchronous>, transform_indices = @transform_3, window_bounds = array<i64: 1, 512>}, {pipeline_mode = #tpu.pipeline_mode<synchronous>, transform_indices = @transform_4, window_bounds = array<i64: 512, 512>}, {pipeline_mode = #tpu.pipeline_mode<synchronous>, transform_indices = @transform_5, window_bounds = array<i64: 1, 512>}, {pipeline_mode = #tpu.pipeline_mode<synchronous>, transform_indices = @transform_6, window_bounds = array<i64: 512, 512>}, {pipeline_mode = #tpu.pipeline_mode<synchronous>, transform_indices = @transform_7, window_bounds = array<i64: 1, 512>}, {pipeline_mode = #tpu.pipeline_mode<synchronous>, transform_indices = @transform_8, window_bounds = array<i64: 512, 512>}, {pipeline_mode = #tpu.pipeline_mode<synchronous>, transform_indices = @transform_9, window_bounds = array<i64: 1, 512>}, {transform_indices = @transform_10, window_bounds = array<i64: 1024, 512>}, {transform_indices = @transform_11, window_bounds = array<i64: 1024, 512>}]} {
    %get3A = arith.constant 0 : index
    %get3A_0 = arith.constant 0 : index
    %get3A_1 = vector.load %arg1[%get3A, %get3A_0] : memref<1024x8xf32, #tpu.memory_space<vmem>>, vector<1024x8xf32>
    %get3A_2 = arith.constant 0 : index
    %get3A_3 = arith.constant 0 : index
    %get3A_4 = vector.load %arg2[%get3A_2, %get3A_3] : memref<8x256xf32, #tpu.memory_space<vmem>>, vector<8x256xf32>
    %get3A_5 = arith.constant 0 : index
    %get3A_6 = arith.constant 0 : index
    %get3A_7 = vector.load %arg3[%get3A_5, %get3A_6] : memref<512x512xf32, #tpu.memory_space<vmem>>, vector<512x512xf32>
    %get3A_8 = arith.constant 0 : index
    %get3A_9 = arith.constant 0 : index
    %get3A_10 = vector.load %arg4[%get3A_8, %get3A_9] : memref<1x512xf32, #tpu.memory_space<vmem>>, vector<1x512xf32>
    %get3A_11 = arith.constant 0 : index
    %get3A_12 = arith.constant 0 : index
    %get3A_13 = vector.load %arg5[%get3A_11, %get3A_12] : memref<512x512xf32, #tpu.memory_space<vmem>>, vector<512x512xf32>
    %get3A_14 = arith.constant 0 : index
    %get3A_15 = arith.constant 0 : index
    %get3A_16 = vector.load %arg6[%get3A_14, %get3A_15] : memref<1x512xf32, #tpu.memory_space<vmem>>, vector<1x512xf32>
    %dot_general3A = arith.constant dense<0.000000e+00> : vector<1024x256xf32>
    %dot_general3A_17 = tpu.matmul %get3A_1, %get3A_4, %dot_general3A {dimension_numbers = #tpu.dot_dimension_numbers<[1], [0], [0], [1], [0, 0, 1, 1], [], []>, transpose_lhs_hint = false} : vector<1024x8xf32>, vector<8x256xf32>, vector<1024x256xf32> -> vector<1024x256xf32>
    %mul3A = arith.constant 6.28318548 : f32
    %mul3A_18 = vector.broadcast %mul3A : f32 to vector<1024x256xf32>
    %mul3A_19 = arith.mulf %mul3A_18, %dot_general3A_17 : vector<1024x256xf32>
    %cos3A = math.cos %mul3A_19 : vector<1024x256xf32>
    %sin3A = math.sin %mul3A_19 : vector<1024x256xf32>
    %concatenate3A = tpu.concatenate %cos3A, %sin3A in 1 : vector<1024x256xf32>, vector<1024x256xf32> -> vector<1024x512xf32>
    %dot_general3A_20 = arith.constant dense<0.000000e+00> : vector<1024x512xf32>
    %dot_general3A_21 = tpu.matmul %concatenate3A, %get3A_7, %dot_general3A_20 {dimension_numbers = #tpu.dot_dimension_numbers<[1], [0], [0], [1], [0, 0, 1, 1], [], []>, transpose_lhs_hint = false} : vector<1024x512xf32>, vector<512x512xf32>, vector<1024x512xf32> -> vector<1024x512xf32>
    %add3A = vector.broadcast %get3A_10 : vector<1x512xf32> to vector<1024x512xf32>
    %add3A_22 = arith.addf %dot_general3A_21, %add3A : vector<1024x512xf32>
    %integer_pow3A = arith.mulf %add3A_22, %add3A_22 : vector<1024x512xf32>
    %integer_pow3A_23 = arith.mulf %add3A_22, %integer_pow3A : vector<1024x512xf32>
    %mul3A_24 = arith.constant 4.471500e-02 : f32
    %mul3A_25 = vector.broadcast %mul3A_24 : f32 to vector<1024x512xf32>
    %mul3A_26 = arith.mulf %mul3A_25, %integer_pow3A_23 : vector<1024x512xf32>
    %add3A_27 = arith.addf %add3A_22, %mul3A_26 : vector<1024x512xf32>
    %mul3A_28 = arith.constant 0.797884583 : f32
    %mul3A_29 = vector.broadcast %mul3A_28 : f32 to vector<1024x512xf32>
    %mul3A_30 = arith.mulf %mul3A_29, %add3A_27 : vector<1024x512xf32>
    %tanh3A = math.tanh %mul3A_30 : vector<1024x512xf32>
    %add3A_31 = arith.constant 1.000000e+00 : f32
    %add3A_32 = vector.broadcast %add3A_31 : f32 to vector<1024x512xf32>
    %add3A_33 = arith.addf %add3A_32, %tanh3A : vector<1024x512xf32>
    %mul3A_34 = arith.constant 5.000000e-01 : f32
    %mul3A_35 = vector.broadcast %mul3A_34 : f32 to vector<1024x512xf32>
    %mul3A_36 = arith.mulf %mul3A_35, %add3A_33 : vector<1024x512xf32>
    %mul3A_37 = arith.mulf %add3A_22, %mul3A_36 : vector<1024x512xf32>
    %dot_general3A_38 = arith.constant dense<0.000000e+00> : vector<1024x512xf32>
    %dot_general3A_39 = tpu.matmul %mul3A_37, %get3A_13, %dot_general3A_38 {dimension_numbers = #tpu.dot_dimension_numbers<[1], [0], [0], [1], [0, 0, 1, 1], [], []>, transpose_lhs_hint = false} : vector<1024x512xf32>, vector<512x512xf32>, vector<1024x512xf32> -> vector<1024x512xf32>
    %add3A_40 = vector.broadcast %get3A_16 : vector<1x512xf32> to vector<1024x512xf32>
    %add3A_41 = arith.addf %dot_general3A_39, %add3A_40 : vector<1024x512xf32>
    %get3A_42 = arith.constant 0 : index
    %get3A_43 = arith.constant 0 : index
    %get3A_44 = vector.load %arg7[%get3A_42, %get3A_43] : memref<512x512xf32, #tpu.memory_space<vmem>>, vector<512x512xf32>
    %dot_general3A_45 = arith.constant dense<0.000000e+00> : vector<1024x512xf32>
    %dot_general3A_46 = tpu.matmul %add3A_41, %get3A_44, %dot_general3A_45 {dimension_numbers = #tpu.dot_dimension_numbers<[1], [0], [0], [1], [0, 0, 1, 1], [], []>, transpose_lhs_hint = false} : vector<1024x512xf32>, vector<512x512xf32>, vector<1024x512xf32> -> vector<1024x512xf32>
    %get3A_47 = arith.constant 0 : index
    %get3A_48 = arith.constant 0 : index
    %get3A_49 = vector.load %arg8[%get3A_47, %get3A_48] : memref<1x512xf32, #tpu.memory_space<vmem>>, vector<1x512xf32>
    %add3A_50 = vector.broadcast %get3A_49 : vector<1x512xf32> to vector<1024x512xf32>
    %add3A_51 = arith.addf %dot_general3A_46, %add3A_50 : vector<1024x512xf32>
    %swap3A = arith.constant 0 : index
    %swap3A_52 = arith.constant 0 : index
    %swap3A_53 = vector.load %arg11[%swap3A, %swap3A_52] : memref<1024x512xf32, #tpu.memory_space<vmem>>, vector<1024x512xf32>
    tpu.vector_store %arg11[%swap3A, %swap3A_52], %add3A_51 {strides = array<i32>} : memref<1024x512xf32, #tpu.memory_space<vmem>>, vector<1024x512xf32>,
    %get3A_54 = arith.constant 0 : index
    %get3A_55 = arith.constant 0 : index
    %get3A_56 = vector.load %arg9[%get3A_54, %get3A_55] : memref<512x512xf32, #tpu.memory_space<vmem>>, vector<512x512xf32>
    %dot_general3A_57 = arith.constant dense<0.000000e+00> : vector<1024x512xf32>
    %dot_general3A_58 = tpu.matmul %add3A_41, %get3A_56, %dot_general3A_57 {dimension_numbers = #tpu.dot_dimension_numbers<[1], [0], [0], [1], [0, 0, 1, 1], [], []>, transpose_lhs_hint = false} : vector<1024x512xf32>, vector<512x512xf32>, vector<1024x512xf32> -> vector<1024x512xf32>
    %get3A_59 = arith.constant 0 : index
    %get3A_60 = arith.constant 0 : index
    %get3A_61 = vector.load %arg10[%get3A_59, %get3A_60] : memref<1x512xf32, #tpu.memory_space<vmem>>, vector<1x512xf32>
    %add3A_62 = vector.broadcast %get3A_61 : vector<1x512xf32> to vector<1024x512xf32>
    %add3A_63 = arith.addf %dot_general3A_58, %add3A_62 : vector<1024x512xf32>
    %swap3A_64 = arith.constant 0 : index
    %swap3A_65 = arith.constant 0 : index
    %swap3A_66 = vector.load %arg12[%swap3A_64, %swap3A_65] : memref<1024x512xf32, #tpu.memory_space<vmem>>, vector<1024x512xf32>
    tpu.vector_store %arg12[%swap3A_64, %swap3A_65], %add3A_63 {strides = array<i32>} : memref<1024x512xf32, #tpu.memory_space<vmem>>, vector<1024x512xf32>,
    return
  }
  func.func @transform_0(%arg0: i32) -> (i32, i32) {
    %c0_i32 = arith.constant 0 : i32
    %c0_i32_0 = arith.constant 0 : i32
    return %arg0, %c0_i32 : i32, i32
  }
  func.func @transform_1(%arg0: i32) -> (i32, i32) {
    %c0_i32 = arith.constant 0 : i32
    %c0_i32_0 = arith.constant 0 : i32
    %c0_i32_1 = arith.constant 0 : i32
    return %c0_i32, %c0_i32_0 : i32, i32
  }
  func.func @transform_2(%arg0: i32) -> (i32, i32) {
    %c0_i32 = arith.constant 0 : i32
    %c0_i32_0 = arith.constant 0 : i32
    %c0_i32_1 = arith.constant 0 : i32
    return %c0_i32, %c0_i32_0 : i32, i32
  }
  func.func @transform_3(%arg0: i32) -> (i32, i32) {
    %c0_i32 = arith.constant 0 : i32
    %c0_i32_0 = arith.constant 0 : i32
    %c0_i32_1 = arith.constant 0 : i32
    return %c0_i32, %c0_i32_0 : i32, i32
  }
  func.func @transform_4(%arg0: i32) -> (i32, i32) {
    %c0_i32 = arith.constant 0 : i32
    %c0_i32_0 = arith.constant 0 : i32
    %c0_i32_1 = arith.constant 0 : i32
    return %c0_i32, %c0_i32_0 : i32, i32
  }
  func.func @transform_5(%arg0: i32) -> (i32, i32) {
    %c0_i32 = arith.constant 0 : i32
    %c0_i32_0 = arith.constant 0 : i32
    %c0_i32_1 = arith.constant 0 : i32
    return %c0_i32, %c0_i32_0 : i32, i32
  }
  func.func @transform_6(%arg0: i32) -> (i32, i32) {
    %c0_i32 = arith.constant 0 : i32
    %c0_i32_0 = arith.constant 0 : i32
    %c0_i32_1 = arith.constant 0 : i32
    return %c0_i32, %c0_i32_0 : i32, i32
  }
  func.func @transform_7(%arg0: i32) -> (i32, i32) {
    %c0_i32 = arith.constant 0 : i32
    %c0_i32_0 = arith.constant 0 : i32
    %c0_i32_1 = arith.constant 0 : i32
    return %c0_i32, %c0_i32_0 : i32, i32
  }
  func.func @transform_8(%arg0: i32) -> (i32, i32) {
    %c0_i32 = arith.constant 0 : i32
    %c0_i32_0 = arith.constant 0 : i32
    %c0_i32_1 = arith.constant 0 : i32
    return %c0_i32, %c0_i32_0 : i32, i32
  }
  func.func @transform_9(%arg0: i32) -> (i32, i32) {
    %c0_i32 = arith.constant 0 : i32
    %c0_i32_0 = arith.constant 0 : i32
    %c0_i32_1 = arith.constant 0 : i32
    return %c0_i32, %c0_i32_0 : i32, i32
  }
  func.func @transform_10(%arg0: i32) -> (i32, i32) {
    %c0_i32 = arith.constant 0 : i32
    %c0_i32_0 = arith.constant 0 : i32
    return %arg0, %c0_i32 : i32, i32
  }
  func.func @transform_11(%arg0: i32) -> (i32, i32) {
    %c0_i32 = arith.constant 0 : i32
    %c0_i32_0 = arith.constant 0 : i32
    return %arg0, %c0_i32 : i32, i32
  }
}

module attributes {stable_mosaic.version = 14 : i64} {
  func.func @_qry_encode_kernel(%arg0: i32, %arg1: memref<1024x8xf32, #tpu.memory_space<vmem>>, %arg2: memref<8x256xf32, #tpu.memory_space<vmem>>, %arg3: memref<512x512xf32, #tpu.memory_space<vmem>>, %arg4: memref<1x512xf32, #tpu.memory_space<vmem>>, %arg5: memref<512x512xf32, #tpu.memory_space<vmem>>, %arg6: memref<1x512xf32, #tpu.memory_space<vmem>>, %arg7: memref<512x512xf32, #tpu.memory_space<vmem>>, %arg8: memref<1x512xf32, #tpu.memory_space<vmem>>, %arg9: memref<1024x512xf32, #tpu.memory_space<vmem>>) attributes {dimension_semantics = [#tpu.dimension_semantics<arbitrary>], iteration_bounds = array<i64: 4>, scalar_prefetch = 0 : i64, scratch_operands = 0 : i64, tpu.core_type = #tpu.core_type<tc>, window_params = [{transform_indices = @transform_0, window_bounds = array<i64: 1024, 8>}, {pipeline_mode = #tpu.pipeline_mode<synchronous>, transform_indices = @transform_1, window_bounds = array<i64: 8, 256>}, {pipeline_mode = #tpu.pipeline_mode<synchronous>, transform_indices = @transform_2, window_bounds = array<i64: 512, 512>}, {pipeline_mode = #tpu.pipeline_mode<synchronous>, transform_indices = @transform_3, window_bounds = array<i64: 1, 512>}, {pipeline_mode = #tpu.pipeline_mode<synchronous>, transform_indices = @transform_4, window_bounds = array<i64: 512, 512>}, {pipeline_mode = #tpu.pipeline_mode<synchronous>, transform_indices = @transform_5, window_bounds = array<i64: 1, 512>}, {pipeline_mode = #tpu.pipeline_mode<synchronous>, transform_indices = @transform_6, window_bounds = array<i64: 512, 512>}, {pipeline_mode = #tpu.pipeline_mode<synchronous>, transform_indices = @transform_7, window_bounds = array<i64: 1, 512>}, {transform_indices = @transform_8, window_bounds = array<i64: 1024, 512>}]} {
    %get3A = arith.constant 0 : index
    %get3A_0 = arith.constant 0 : index
    %get3A_1 = vector.load %arg1[%get3A, %get3A_0] : memref<1024x8xf32, #tpu.memory_space<vmem>>, vector<1024x8xf32>
    %get3A_2 = arith.constant 0 : index
    %get3A_3 = arith.constant 0 : index
    %get3A_4 = vector.load %arg2[%get3A_2, %get3A_3] : memref<8x256xf32, #tpu.memory_space<vmem>>, vector<8x256xf32>
    %get3A_5 = arith.constant 0 : index
    %get3A_6 = arith.constant 0 : index
    %get3A_7 = vector.load %arg3[%get3A_5, %get3A_6] : memref<512x512xf32, #tpu.memory_space<vmem>>, vector<512x512xf32>
    %get3A_8 = arith.constant 0 : index
    %get3A_9 = arith.constant 0 : index
    %get3A_10 = vector.load %arg4[%get3A_8, %get3A_9] : memref<1x512xf32, #tpu.memory_space<vmem>>, vector<1x512xf32>
    %get3A_11 = arith.constant 0 : index
    %get3A_12 = arith.constant 0 : index
    %get3A_13 = vector.load %arg5[%get3A_11, %get3A_12] : memref<512x512xf32, #tpu.memory_space<vmem>>, vector<512x512xf32>
    %get3A_14 = arith.constant 0 : index
    %get3A_15 = arith.constant 0 : index
    %get3A_16 = vector.load %arg6[%get3A_14, %get3A_15] : memref<1x512xf32, #tpu.memory_space<vmem>>, vector<1x512xf32>
    %dot_general3A = arith.constant dense<0.000000e+00> : vector<1024x256xf32>
    %dot_general3A_17 = tpu.matmul %get3A_1, %get3A_4, %dot_general3A {dimension_numbers = #tpu.dot_dimension_numbers<[1], [0], [0], [1], [0, 0, 1, 1], [], []>, transpose_lhs_hint = false} : vector<1024x8xf32>, vector<8x256xf32>, vector<1024x256xf32> -> vector<1024x256xf32>
    %mul3A = arith.constant 6.28318548 : f32
    %mul3A_18 = vector.broadcast %mul3A : f32 to vector<1024x256xf32>
    %mul3A_19 = arith.mulf %mul3A_18, %dot_general3A_17 : vector<1024x256xf32>
    %cos3A = math.cos %mul3A_19 : vector<1024x256xf32>
    %sin3A = math.sin %mul3A_19 : vector<1024x256xf32>
    %concatenate3A = tpu.concatenate %cos3A, %sin3A in 1 : vector<1024x256xf32>, vector<1024x256xf32> -> vector<1024x512xf32>
    %dot_general3A_20 = arith.constant dense<0.000000e+00> : vector<1024x512xf32>
    %dot_general3A_21 = tpu.matmul %concatenate3A, %get3A_7, %dot_general3A_20 {dimension_numbers = #tpu.dot_dimension_numbers<[1], [0], [0], [1], [0, 0, 1, 1], [], []>, transpose_lhs_hint = false} : vector<1024x512xf32>, vector<512x512xf32>, vector<1024x512xf32> -> vector<1024x512xf32>
    %add3A = vector.broadcast %get3A_10 : vector<1x512xf32> to vector<1024x512xf32>
    %add3A_22 = arith.addf %dot_general3A_21, %add3A : vector<1024x512xf32>
    %integer_pow3A = arith.mulf %add3A_22, %add3A_22 : vector<1024x512xf32>
    %integer_pow3A_23 = arith.mulf %add3A_22, %integer_pow3A : vector<1024x512xf32>
    %mul3A_24 = arith.constant 4.471500e-02 : f32
    %mul3A_25 = vector.broadcast %mul3A_24 : f32 to vector<1024x512xf32>
    %mul3A_26 = arith.mulf %mul3A_25, %integer_pow3A_23 : vector<1024x512xf32>
    %add3A_27 = arith.addf %add3A_22, %mul3A_26 : vector<1024x512xf32>
    %mul3A_28 = arith.constant 0.797884583 : f32
    %mul3A_29 = vector.broadcast %mul3A_28 : f32 to vector<1024x512xf32>
    %mul3A_30 = arith.mulf %mul3A_29, %add3A_27 : vector<1024x512xf32>
    %tanh3A = math.tanh %mul3A_30 : vector<1024x512xf32>
    %add3A_31 = arith.constant 1.000000e+00 : f32
    %add3A_32 = vector.broadcast %add3A_31 : f32 to vector<1024x512xf32>
    %add3A_33 = arith.addf %add3A_32, %tanh3A : vector<1024x512xf32>
    %mul3A_34 = arith.constant 5.000000e-01 : f32
    %mul3A_35 = vector.broadcast %mul3A_34 : f32 to vector<1024x512xf32>
    %mul3A_36 = arith.mulf %mul3A_35, %add3A_33 : vector<1024x512xf32>
    %mul3A_37 = arith.mulf %add3A_22, %mul3A_36 : vector<1024x512xf32>
    %dot_general3A_38 = arith.constant dense<0.000000e+00> : vector<1024x512xf32>
    %dot_general3A_39 = tpu.matmul %mul3A_37, %get3A_13, %dot_general3A_38 {dimension_numbers = #tpu.dot_dimension_numbers<[1], [0], [0], [1], [0, 0, 1, 1], [], []>, transpose_lhs_hint = false} : vector<1024x512xf32>, vector<512x512xf32>, vector<1024x512xf32> -> vector<1024x512xf32>
    %add3A_40 = vector.broadcast %get3A_16 : vector<1x512xf32> to vector<1024x512xf32>
    %add3A_41 = arith.addf %dot_general3A_39, %add3A_40 : vector<1024x512xf32>
    %get3A_42 = arith.constant 0 : index
    %get3A_43 = arith.constant 0 : index
    %get3A_44 = vector.load %arg7[%get3A_42, %get3A_43] : memref<512x512xf32, #tpu.memory_space<vmem>>, vector<512x512xf32>
    %dot_general3A_45 = arith.constant dense<0.000000e+00> : vector<1024x512xf32>
    %dot_general3A_46 = tpu.matmul %add3A_41, %get3A_44, %dot_general3A_45 {dimension_numbers = #tpu.dot_dimension_numbers<[1], [0], [0], [1], [0, 0, 1, 1], [], []>, transpose_lhs_hint = false} : vector<1024x512xf32>, vector<512x512xf32>, vector<1024x512xf32> -> vector<1024x512xf32>
    %get3A_47 = arith.constant 0 : index
    %get3A_48 = arith.constant 0 : index
    %get3A_49 = vector.load %arg8[%get3A_47, %get3A_48] : memref<1x512xf32, #tpu.memory_space<vmem>>, vector<1x512xf32>
    %add3A_50 = vector.broadcast %get3A_49 : vector<1x512xf32> to vector<1024x512xf32>
    %add3A_51 = arith.addf %dot_general3A_46, %add3A_50 : vector<1024x512xf32>
    %swap3A = arith.constant 0 : index
    %swap3A_52 = arith.constant 0 : index
    %swap3A_53 = vector.load %arg9[%swap3A, %swap3A_52] : memref<1024x512xf32, #tpu.memory_space<vmem>>, vector<1024x512xf32>
    tpu.vector_store %arg9[%swap3A, %swap3A_52], %add3A_51 {strides = array<i32>} : memref<1024x512xf32, #tpu.memory_space<vmem>>, vector<1024x512xf32>,
    return
  }
  func.func @transform_0(%arg0: i32) -> (i32, i32) {
    %c0_i32 = arith.constant 0 : i32
    %c0_i32_0 = arith.constant 0 : i32
    return %arg0, %c0_i32 : i32, i32
  }
  func.func @transform_1(%arg0: i32) -> (i32, i32) {
    %c0_i32 = arith.constant 0 : i32
    %c0_i32_0 = arith.constant 0 : i32
    %c0_i32_1 = arith.constant 0 : i32
    return %c0_i32, %c0_i32_0 : i32, i32
  }
  func.func @transform_2(%arg0: i32) -> (i32, i32) {
    %c0_i32 = arith.constant 0 : i32
    %c0_i32_0 = arith.constant 0 : i32
    %c0_i32_1 = arith.constant 0 : i32
    return %c0_i32, %c0_i32_0 : i32, i32
  }
  func.func @transform_3(%arg0: i32) -> (i32, i32) {
    %c0_i32 = arith.constant 0 : i32
    %c0_i32_0 = arith.constant 0 : i32
    %c0_i32_1 = arith.constant 0 : i32
    return %c0_i32, %c0_i32_0 : i32, i32
  }
  func.func @transform_4(%arg0: i32) -> (i32, i32) {
    %c0_i32 = arith.constant 0 : i32
    %c0_i32_0 = arith.constant 0 : i32
    %c0_i32_1 = arith.constant 0 : i32
    return %c0_i32, %c0_i32_0 : i32, i32
  }
  func.func @transform_5(%arg0: i32) -> (i32, i32) {
    %c0_i32 = arith.constant 0 : i32
    %c0_i32_0 = arith.constant 0 : i32
    %c0_i32_1 = arith.constant 0 : i32
    return %c0_i32, %c0_i32_0 : i32, i32
  }
  func.func @transform_6(%arg0: i32) -> (i32, i32) {
    %c0_i32 = arith.constant 0 : i32
    %c0_i32_0 = arith.constant 0 : i32
    %c0_i32_1 = arith.constant 0 : i32
    return %c0_i32, %c0_i32_0 : i32, i32
  }
  func.func @transform_7(%arg0: i32) -> (i32, i32) {
    %c0_i32 = arith.constant 0 : i32
    %c0_i32_0 = arith.constant 0 : i32
    %c0_i32_1 = arith.constant 0 : i32
    return %c0_i32, %c0_i32_0 : i32, i32
  }
  func.func @transform_8(%arg0: i32) -> (i32, i32) {
    %c0_i32 = arith.constant 0 : i32
    %c0_i32_0 = arith.constant 0 : i32
    return %arg0, %c0_i32 : i32, i32
  }
}

module attributes {stable_mosaic.version = 14 : i64} {
  func.func @_attn_kernel(%arg0: i32, %arg1: memref<128x512xf32, #tpu.memory_space<vmem>>, %arg2: memref<16x128x512xf32, #tpu.memory_space<vmem>>, %arg3: memref<16x128x512xf32, #tpu.memory_space<vmem>>, %arg4: memref<512x8xf32, #tpu.memory_space<vmem>>, %arg5: memref<8x512xf32, #tpu.memory_space<vmem>>, %arg6: memref<512x512xf32, #tpu.memory_space<vmem>>, %arg7: memref<1x512xf32, #tpu.memory_space<vmem>>, %arg8: memref<128x512xf32, #tpu.memory_space<vmem>>) attributes {dimension_semantics = [#tpu.dimension_semantics<arbitrary>], iteration_bounds = array<i64: 32>, scalar_prefetch = 0 : i64, scratch_operands = 0 : i64, tpu.core_type = #tpu.core_type<tc>, window_params = [{transform_indices = @transform_0, window_bounds = array<i64: 128, 512>}, {transform_indices = @transform_1, window_bounds = array<i64: 16, 128, 512>}, {transform_indices = @transform_2, window_bounds = array<i64: 16, 128, 512>}, {pipeline_mode = #tpu.pipeline_mode<synchronous>, transform_indices = @transform_3, window_bounds = array<i64: 512, 8>}, {pipeline_mode = #tpu.pipeline_mode<synchronous>, transform_indices = @transform_4, window_bounds = array<i64: 8, 512>}, {pipeline_mode = #tpu.pipeline_mode<synchronous>, transform_indices = @transform_5, window_bounds = array<i64: 512, 512>}, {pipeline_mode = #tpu.pipeline_mode<synchronous>, transform_indices = @transform_6, window_bounds = array<i64: 1, 512>}, {transform_indices = @transform_7, window_bounds = array<i64: 128, 512>}]} {
    %get3A = arith.constant 0 : index
    %get3A_0 = arith.constant 0 : index
    %get3A_1 = vector.load %arg1[%get3A, %get3A_0] : memref<128x512xf32, #tpu.memory_space<vmem>>, vector<128x512xf32>
    %get3A_2 = arith.constant 0 : index
    %get3A_3 = arith.constant 0 : index
    %get3A_4 = vector.load %arg4[%get3A_2, %get3A_3] : memref<512x8xf32, #tpu.memory_space<vmem>>, vector<512x8xf32>
    %get3A_5 = arith.constant 0 : index
    %get3A_6 = arith.constant 0 : index
    %get3A_7 = vector.load %arg5[%get3A_5, %get3A_6] : memref<8x512xf32, #tpu.memory_space<vmem>>, vector<8x512xf32>
    %get3A_8 = arith.constant 0 : index
    %get3A_9 = arith.constant 0 : index
    %get3A_10 = arith.constant 0 : index
    %get3A_11 = vector.load %arg2[%get3A_8, %get3A_9, %get3A_10] : memref<16x128x512xf32, #tpu.memory_space<vmem>>, vector<1x128x512xf32>
    %get3A_12 = vector.shape_cast %get3A_11 : vector<1x128x512xf32> to vector<128x512xf32>
    %mul3A = arith.mulf %get3A_1, %get3A_12 : vector<128x512xf32>
    %dot_general3A = arith.constant dense<0.000000e+00> : vector<128x8xf32>
    %dot_general3A_13 = tpu.matmul %mul3A, %get3A_4, %dot_general3A {dimension_numbers = #tpu.dot_dimension_numbers<[1], [0], [0], [1], [0, 0, 1, 1], [], []>, transpose_lhs_hint = false} : vector<128x512xf32>, vector<512x8xf32>, vector<128x8xf32> -> vector<128x8xf32>
    %mul3A_14 = arith.constant 1.250000e-01 : f32
    %mul3A_15 = vector.broadcast %mul3A_14 : f32 to vector<128x8xf32>
    %mul3A_16 = arith.mulf %dot_general3A_13, %mul3A_15 : vector<128x8xf32>
    %get3A_17 = arith.constant 1 : index
    %get3A_18 = arith.constant 0 : index
    %get3A_19 = arith.constant 0 : index
    %get3A_20 = vector.load %arg2[%get3A_17, %get3A_18, %get3A_19] : memref<16x128x512xf32, #tpu.memory_space<vmem>>, vector<1x128x512xf32>
    %get3A_21 = vector.shape_cast %get3A_20 : vector<1x128x512xf32> to vector<128x512xf32>
    %mul3A_22 = arith.mulf %get3A_1, %get3A_21 : vector<128x512xf32>
    %dot_general3A_23 = arith.constant dense<0.000000e+00> : vector<128x8xf32>
    %dot_general3A_24 = tpu.matmul %mul3A_22, %get3A_4, %dot_general3A_23 {dimension_numbers = #tpu.dot_dimension_numbers<[1], [0], [0], [1], [0, 0, 1, 1], [], []>, transpose_lhs_hint = false} : vector<128x512xf32>, vector<512x8xf32>, vector<128x8xf32> -> vector<128x8xf32>
    %mul3A_25 = arith.constant 1.250000e-01 : f32
    %mul3A_26 = vector.broadcast %mul3A_25 : f32 to vector<128x8xf32>
    %mul3A_27 = arith.mulf %dot_general3A_24, %mul3A_26 : vector<128x8xf32>
    %max3A = arith.maximumf %mul3A_16, %mul3A_27 : vector<128x8xf32>
    %get3A_28 = arith.constant 2 : index
    %get3A_29 = arith.constant 0 : index
    %get3A_30 = arith.constant 0 : index
    %get3A_31 = vector.load %arg2[%get3A_28, %get3A_29, %get3A_30] : memref<16x128x512xf32, #tpu.memory_space<vmem>>, vector<1x128x512xf32>
    %get3A_32 = vector.shape_cast %get3A_31 : vector<1x128x512xf32> to vector<128x512xf32>
    %mul3A_33 = arith.mulf %get3A_1, %get3A_32 : vector<128x512xf32>
    %dot_general3A_34 = arith.constant dense<0.000000e+00> : vector<128x8xf32>
    %dot_general3A_35 = tpu.matmul %mul3A_33, %get3A_4, %dot_general3A_34 {dimension_numbers = #tpu.dot_dimension_numbers<[1], [0], [0], [1], [0, 0, 1, 1], [], []>, transpose_lhs_hint = false} : vector<128x512xf32>, vector<512x8xf32>, vector<128x8xf32> -> vector<128x8xf32>
    %mul3A_36 = arith.constant 1.250000e-01 : f32
    %mul3A_37 = vector.broadcast %mul3A_36 : f32 to vector<128x8xf32>
    %mul3A_38 = arith.mulf %dot_general3A_35, %mul3A_37 : vector<128x8xf32>
    %max3A_39 = arith.maximumf %max3A, %mul3A_38 : vector<128x8xf32>
    %get3A_40 = arith.constant 3 : index
    %get3A_41 = arith.constant 0 : index
    %get3A_42 = arith.constant 0 : index
    %get3A_43 = vector.load %arg2[%get3A_40, %get3A_41, %get3A_42] : memref<16x128x512xf32, #tpu.memory_space<vmem>>, vector<1x128x512xf32>
    %get3A_44 = vector.shape_cast %get3A_43 : vector<1x128x512xf32> to vector<128x512xf32>
    %mul3A_45 = arith.mulf %get3A_1, %get3A_44 : vector<128x512xf32>
    %dot_general3A_46 = arith.constant dense<0.000000e+00> : vector<128x8xf32>
    %dot_general3A_47 = tpu.matmul %mul3A_45, %get3A_4, %dot_general3A_46 {dimension_numbers = #tpu.dot_dimension_numbers<[1], [0], [0], [1], [0, 0, 1, 1], [], []>, transpose_lhs_hint = false} : vector<128x512xf32>, vector<512x8xf32>, vector<128x8xf32> -> vector<128x8xf32>
    %mul3A_48 = arith.constant 1.250000e-01 : f32
    %mul3A_49 = vector.broadcast %mul3A_48 : f32 to vector<128x8xf32>
    %mul3A_50 = arith.mulf %dot_general3A_47, %mul3A_49 : vector<128x8xf32>
    %max3A_51 = arith.maximumf %max3A_39, %mul3A_50 : vector<128x8xf32>
    %get3A_52 = arith.constant 4 : index
    %get3A_53 = arith.constant 0 : index
    %get3A_54 = arith.constant 0 : index
    %get3A_55 = vector.load %arg2[%get3A_52, %get3A_53, %get3A_54] : memref<16x128x512xf32, #tpu.memory_space<vmem>>, vector<1x128x512xf32>
    %get3A_56 = vector.shape_cast %get3A_55 : vector<1x128x512xf32> to vector<128x512xf32>
    %mul3A_57 = arith.mulf %get3A_1, %get3A_56 : vector<128x512xf32>
    %dot_general3A_58 = arith.constant dense<0.000000e+00> : vector<128x8xf32>
    %dot_general3A_59 = tpu.matmul %mul3A_57, %get3A_4, %dot_general3A_58 {dimension_numbers = #tpu.dot_dimension_numbers<[1], [0], [0], [1], [0, 0, 1, 1], [], []>, transpose_lhs_hint = false} : vector<128x512xf32>, vector<512x8xf32>, vector<128x8xf32> -> vector<128x8xf32>
    %mul3A_60 = arith.constant 1.250000e-01 : f32
    %mul3A_61 = vector.broadcast %mul3A_60 : f32 to vector<128x8xf32>
    %mul3A_62 = arith.mulf %dot_general3A_59, %mul3A_61 : vector<128x8xf32>
    %max3A_63 = arith.maximumf %max3A_51, %mul3A_62 : vector<128x8xf32>
    %get3A_64 = arith.constant 5 : index
    %get3A_65 = arith.constant 0 : index
    %get3A_66 = arith.constant 0 : index
    %get3A_67 = vector.load %arg2[%get3A_64, %get3A_65, %get3A_66] : memref<16x128x512xf32, #tpu.memory_space<vmem>>, vector<1x128x512xf32>
    %get3A_68 = vector.shape_cast %get3A_67 : vector<1x128x512xf32> to vector<128x512xf32>
    %mul3A_69 = arith.mulf %get3A_1, %get3A_68 : vector<128x512xf32>
    %dot_general3A_70 = arith.constant dense<0.000000e+00> : vector<128x8xf32>
    %dot_general3A_71 = tpu.matmul %mul3A_69, %get3A_4, %dot_general3A_70 {dimension_numbers = #tpu.dot_dimension_numbers<[1], [0], [0], [1], [0, 0, 1, 1], [], []>, transpose_lhs_hint = false} : vector<128x512xf32>, vector<512x8xf32>, vector<128x8xf32> -> vector<128x8xf32>
    %mul3A_72 = arith.constant 1.250000e-01 : f32
    %mul3A_73 = vector.broadcast %mul3A_72 : f32 to vector<128x8xf32>
    %mul3A_74 = arith.mulf %dot_general3A_71, %mul3A_73 : vector<128x8xf32>
    %max3A_75 = arith.maximumf %max3A_63, %mul3A_74 : vector<128x8xf32>
    %get3A_76 = arith.constant 6 : index
    %get3A_77 = arith.constant 0 : index
    %get3A_78 = arith.constant 0 : index
    %get3A_79 = vector.load %arg2[%get3A_76, %get3A_77, %get3A_78] : memref<16x128x512xf32, #tpu.memory_space<vmem>>, vector<1x128x512xf32>
    %get3A_80 = vector.shape_cast %get3A_79 : vector<1x128x512xf32> to vector<128x512xf32>
    %mul3A_81 = arith.mulf %get3A_1, %get3A_80 : vector<128x512xf32>
    %dot_general3A_82 = arith.constant dense<0.000000e+00> : vector<128x8xf32>
    %dot_general3A_83 = tpu.matmul %mul3A_81, %get3A_4, %dot_general3A_82 {dimension_numbers = #tpu.dot_dimension_numbers<[1], [0], [0], [1], [0, 0, 1, 1], [], []>, transpose_lhs_hint = false} : vector<128x512xf32>, vector<512x8xf32>, vector<128x8xf32> -> vector<128x8xf32>
    %mul3A_84 = arith.constant 1.250000e-01 : f32
    %mul3A_85 = vector.broadcast %mul3A_84 : f32 to vector<128x8xf32>
    %mul3A_86 = arith.mulf %dot_general3A_83, %mul3A_85 : vector<128x8xf32>
    %max3A_87 = arith.maximumf %max3A_75, %mul3A_86 : vector<128x8xf32>
    %get3A_88 = arith.constant 7 : index
    %get3A_89 = arith.constant 0 : index
    %get3A_90 = arith.constant 0 : index
    %get3A_91 = vector.load %arg2[%get3A_88, %get3A_89, %get3A_90] : memref<16x128x512xf32, #tpu.memory_space<vmem>>, vector<1x128x512xf32>
    %get3A_92 = vector.shape_cast %get3A_91 : vector<1x128x512xf32> to vector<128x512xf32>
    %mul3A_93 = arith.mulf %get3A_1, %get3A_92 : vector<128x512xf32>
    %dot_general3A_94 = arith.constant dense<0.000000e+00> : vector<128x8xf32>
    %dot_general3A_95 = tpu.matmul %mul3A_93, %get3A_4, %dot_general3A_94 {dimension_numbers = #tpu.dot_dimension_numbers<[1], [0], [0], [1], [0, 0, 1, 1], [], []>, transpose_lhs_hint = false} : vector<128x512xf32>, vector<512x8xf32>, vector<128x8xf32> -> vector<128x8xf32>
    %mul3A_96 = arith.constant 1.250000e-01 : f32
    %mul3A_97 = vector.broadcast %mul3A_96 : f32 to vector<128x8xf32>
    %mul3A_98 = arith.mulf %dot_general3A_95, %mul3A_97 : vector<128x8xf32>
    %max3A_99 = arith.maximumf %max3A_87, %mul3A_98 : vector<128x8xf32>
    %get3A_100 = arith.constant 8 : index
    %get3A_101 = arith.constant 0 : index
    %get3A_102 = arith.constant 0 : index
    %get3A_103 = vector.load %arg2[%get3A_100, %get3A_101, %get3A_102] : memref<16x128x512xf32, #tpu.memory_space<vmem>>, vector<1x128x512xf32>
    %get3A_104 = vector.shape_cast %get3A_103 : vector<1x128x512xf32> to vector<128x512xf32>
    %mul3A_105 = arith.mulf %get3A_1, %get3A_104 : vector<128x512xf32>
    %dot_general3A_106 = arith.constant dense<0.000000e+00> : vector<128x8xf32>
    %dot_general3A_107 = tpu.matmul %mul3A_105, %get3A_4, %dot_general3A_106 {dimension_numbers = #tpu.dot_dimension_numbers<[1], [0], [0], [1], [0, 0, 1, 1], [], []>, transpose_lhs_hint = false} : vector<128x512xf32>, vector<512x8xf32>, vector<128x8xf32> -> vector<128x8xf32>
    %mul3A_108 = arith.constant 1.250000e-01 : f32
    %mul3A_109 = vector.broadcast %mul3A_108 : f32 to vector<128x8xf32>
    %mul3A_110 = arith.mulf %dot_general3A_107, %mul3A_109 : vector<128x8xf32>
    %max3A_111 = arith.maximumf %max3A_99, %mul3A_110 : vector<128x8xf32>
    %get3A_112 = arith.constant 9 : index
    %get3A_113 = arith.constant 0 : index
    %get3A_114 = arith.constant 0 : index
    %get3A_115 = vector.load %arg2[%get3A_112, %get3A_113, %get3A_114] : memref<16x128x512xf32, #tpu.memory_space<vmem>>, vector<1x128x512xf32>
    %get3A_116 = vector.shape_cast %get3A_115 : vector<1x128x512xf32> to vector<128x512xf32>
    %mul3A_117 = arith.mulf %get3A_1, %get3A_116 : vector<128x512xf32>
    %dot_general3A_118 = arith.constant dense<0.000000e+00> : vector<128x8xf32>
    %dot_general3A_119 = tpu.matmul %mul3A_117, %get3A_4, %dot_general3A_118 {dimension_numbers = #tpu.dot_dimension_numbers<[1], [0], [0], [1], [0, 0, 1, 1], [], []>, transpose_lhs_hint = false} : vector<128x512xf32>, vector<512x8xf32>, vector<128x8xf32> -> vector<128x8xf32>
    %mul3A_120 = arith.constant 1.250000e-01 : f32
    %mul3A_121 = vector.broadcast %mul3A_120 : f32 to vector<128x8xf32>
    %mul3A_122 = arith.mulf %dot_general3A_119, %mul3A_121 : vector<128x8xf32>
    %max3A_123 = arith.maximumf %max3A_111, %mul3A_122 : vector<128x8xf32>
    %get3A_124 = arith.constant 10 : index
    %get3A_125 = arith.constant 0 : index
    %get3A_126 = arith.constant 0 : index
    %get3A_127 = vector.load %arg2[%get3A_124, %get3A_125, %get3A_126] : memref<16x128x512xf32, #tpu.memory_space<vmem>>, vector<1x128x512xf32>
    %get3A_128 = vector.shape_cast %get3A_127 : vector<1x128x512xf32> to vector<128x512xf32>
    %mul3A_129 = arith.mulf %get3A_1, %get3A_128 : vector<128x512xf32>
    %dot_general3A_130 = arith.constant dense<0.000000e+00> : vector<128x8xf32>
    %dot_general3A_131 = tpu.matmul %mul3A_129, %get3A_4, %dot_general3A_130 {dimension_numbers = #tpu.dot_dimension_numbers<[1], [0], [0], [1], [0, 0, 1, 1], [], []>, transpose_lhs_hint = false} : vector<128x512xf32>, vector<512x8xf32>, vector<128x8xf32> -> vector<128x8xf32>
    %mul3A_132 = arith.constant 1.250000e-01 : f32
    %mul3A_133 = vector.broadcast %mul3A_132 : f32 to vector<128x8xf32>
    %mul3A_134 = arith.mulf %dot_general3A_131, %mul3A_133 : vector<128x8xf32>
    %max3A_135 = arith.maximumf %max3A_123, %mul3A_134 : vector<128x8xf32>
    %get3A_136 = arith.constant 11 : index
    %get3A_137 = arith.constant 0 : index
    %get3A_138 = arith.constant 0 : index
    %get3A_139 = vector.load %arg2[%get3A_136, %get3A_137, %get3A_138] : memref<16x128x512xf32, #tpu.memory_space<vmem>>, vector<1x128x512xf32>
    %get3A_140 = vector.shape_cast %get3A_139 : vector<1x128x512xf32> to vector<128x512xf32>
    %mul3A_141 = arith.mulf %get3A_1, %get3A_140 : vector<128x512xf32>
    %dot_general3A_142 = arith.constant dense<0.000000e+00> : vector<128x8xf32>
    %dot_general3A_143 = tpu.matmul %mul3A_141, %get3A_4, %dot_general3A_142 {dimension_numbers = #tpu.dot_dimension_numbers<[1], [0], [0], [1], [0, 0, 1, 1], [], []>, transpose_lhs_hint = false} : vector<128x512xf32>, vector<512x8xf32>, vector<128x8xf32> -> vector<128x8xf32>
    %mul3A_144 = arith.constant 1.250000e-01 : f32
    %mul3A_145 = vector.broadcast %mul3A_144 : f32 to vector<128x8xf32>
    %mul3A_146 = arith.mulf %dot_general3A_143, %mul3A_145 : vector<128x8xf32>
    %max3A_147 = arith.maximumf %max3A_135, %mul3A_146 : vector<128x8xf32>
    %get3A_148 = arith.constant 12 : index
    %get3A_149 = arith.constant 0 : index
    %get3A_150 = arith.constant 0 : index
    %get3A_151 = vector.load %arg2[%get3A_148, %get3A_149, %get3A_150] : memref<16x128x512xf32, #tpu.memory_space<vmem>>, vector<1x128x512xf32>
    %get3A_152 = vector.shape_cast %get3A_151 : vector<1x128x512xf32> to vector<128x512xf32>
    %mul3A_153 = arith.mulf %get3A_1, %get3A_152 : vector<128x512xf32>
    %dot_general3A_154 = arith.constant dense<0.000000e+00> : vector<128x8xf32>
    %dot_general3A_155 = tpu.matmul %mul3A_153, %get3A_4, %dot_general3A_154 {dimension_numbers = #tpu.dot_dimension_numbers<[1], [0], [0], [1], [0, 0, 1, 1], [], []>, transpose_lhs_hint = false} : vector<128x512xf32>, vector<512x8xf32>, vector<128x8xf32> -> vector<128x8xf32>
    %mul3A_156 = arith.constant 1.250000e-01 : f32
    %mul3A_157 = vector.broadcast %mul3A_156 : f32 to vector<128x8xf32>
    %mul3A_158 = arith.mulf %dot_general3A_155, %mul3A_157 : vector<128x8xf32>
    %max3A_159 = arith.maximumf %max3A_147, %mul3A_158 : vector<128x8xf32>
    %get3A_160 = arith.constant 13 : index
    %get3A_161 = arith.constant 0 : index
    %get3A_162 = arith.constant 0 : index
    %get3A_163 = vector.load %arg2[%get3A_160, %get3A_161, %get3A_162] : memref<16x128x512xf32, #tpu.memory_space<vmem>>, vector<1x128x512xf32>
    %get3A_164 = vector.shape_cast %get3A_163 : vector<1x128x512xf32> to vector<128x512xf32>
    %mul3A_165 = arith.mulf %get3A_1, %get3A_164 : vector<128x512xf32>
    %dot_general3A_166 = arith.constant dense<0.000000e+00> : vector<128x8xf32>
    %dot_general3A_167 = tpu.matmul %mul3A_165, %get3A_4, %dot_general3A_166 {dimension_numbers = #tpu.dot_dimension_numbers<[1], [0], [0], [1], [0, 0, 1, 1], [], []>, transpose_lhs_hint = false} : vector<128x512xf32>, vector<512x8xf32>, vector<128x8xf32> -> vector<128x8xf32>
    %mul3A_168 = arith.constant 1.250000e-01 : f32
    %mul3A_169 = vector.broadcast %mul3A_168 : f32 to vector<128x8xf32>
    %mul3A_170 = arith.mulf %dot_general3A_167, %mul3A_169 : vector<128x8xf32>
    %max3A_171 = arith.maximumf %max3A_159, %mul3A_170 : vector<128x8xf32>
    %get3A_172 = arith.constant 14 : index
    %get3A_173 = arith.constant 0 : index
    %get3A_174 = arith.constant 0 : index
    %get3A_175 = vector.load %arg2[%get3A_172, %get3A_173, %get3A_174] : memref<16x128x512xf32, #tpu.memory_space<vmem>>, vector<1x128x512xf32>
    %get3A_176 = vector.shape_cast %get3A_175 : vector<1x128x512xf32> to vector<128x512xf32>
    %mul3A_177 = arith.mulf %get3A_1, %get3A_176 : vector<128x512xf32>
    %dot_general3A_178 = arith.constant dense<0.000000e+00> : vector<128x8xf32>
    %dot_general3A_179 = tpu.matmul %mul3A_177, %get3A_4, %dot_general3A_178 {dimension_numbers = #tpu.dot_dimension_numbers<[1], [0], [0], [1], [0, 0, 1, 1], [], []>, transpose_lhs_hint = false} : vector<128x512xf32>, vector<512x8xf32>, vector<128x8xf32> -> vector<128x8xf32>
    %mul3A_180 = arith.constant 1.250000e-01 : f32
    %mul3A_181 = vector.broadcast %mul3A_180 : f32 to vector<128x8xf32>
    %mul3A_182 = arith.mulf %dot_general3A_179, %mul3A_181 : vector<128x8xf32>
    %max3A_183 = arith.maximumf %max3A_171, %mul3A_182 : vector<128x8xf32>
    %get3A_184 = arith.constant 15 : index
    %get3A_185 = arith.constant 0 : index
    %get3A_186 = arith.constant 0 : index
    %get3A_187 = vector.load %arg2[%get3A_184, %get3A_185, %get3A_186] : memref<16x128x512xf32, #tpu.memory_space<vmem>>, vector<1x128x512xf32>
    %get3A_188 = vector.shape_cast %get3A_187 : vector<1x128x512xf32> to vector<128x512xf32>
    %mul3A_189 = arith.mulf %get3A_1, %get3A_188 : vector<128x512xf32>
    %dot_general3A_190 = arith.constant dense<0.000000e+00> : vector<128x8xf32>
    %dot_general3A_191 = tpu.matmul %mul3A_189, %get3A_4, %dot_general3A_190 {dimension_numbers = #tpu.dot_dimension_numbers<[1], [0], [0], [1], [0, 0, 1, 1], [], []>, transpose_lhs_hint = false} : vector<128x512xf32>, vector<512x8xf32>, vector<128x8xf32> -> vector<128x8xf32>
    %mul3A_192 = arith.constant 1.250000e-01 : f32
    %mul3A_193 = vector.broadcast %mul3A_192 : f32 to vector<128x8xf32>
    %mul3A_194 = arith.mulf %dot_general3A_191, %mul3A_193 : vector<128x8xf32>
    %max3A_195 = arith.maximumf %max3A_183, %mul3A_194 : vector<128x8xf32>
    %sub3A = arith.subf %mul3A_16, %max3A_195 : vector<128x8xf32>
    %exp3A = math.exp %sub3A : vector<128x8xf32>
    %sub3A_196 = arith.subf %mul3A_27, %max3A_195 : vector<128x8xf32>
    %exp3A_197 = math.exp %sub3A_196 : vector<128x8xf32>
    %sub3A_198 = arith.subf %mul3A_38, %max3A_195 : vector<128x8xf32>
    %exp3A_199 = math.exp %sub3A_198 : vector<128x8xf32>
    %sub3A_200 = arith.subf %mul3A_50, %max3A_195 : vector<128x8xf32>
    %exp3A_201 = math.exp %sub3A_200 : vector<128x8xf32>
    %sub3A_202 = arith.subf %mul3A_62, %max3A_195 : vector<128x8xf32>
    %exp3A_203 = math.exp %sub3A_202 : vector<128x8xf32>
    %sub3A_204 = arith.subf %mul3A_74, %max3A_195 : vector<128x8xf32>
    %exp3A_205 = math.exp %sub3A_204 : vector<128x8xf32>
    %sub3A_206 = arith.subf %mul3A_86, %max3A_195 : vector<128x8xf32>
    %exp3A_207 = math.exp %sub3A_206 : vector<128x8xf32>
    %sub3A_208 = arith.subf %mul3A_98, %max3A_195 : vector<128x8xf32>
    %exp3A_209 = math.exp %sub3A_208 : vector<128x8xf32>
    %sub3A_210 = arith.subf %mul3A_110, %max3A_195 : vector<128x8xf32>
    %exp3A_211 = math.exp %sub3A_210 : vector<128x8xf32>
    %sub3A_212 = arith.subf %mul3A_122, %max3A_195 : vector<128x8xf32>
    %exp3A_213 = math.exp %sub3A_212 : vector<128x8xf32>
    %sub3A_214 = arith.subf %mul3A_134, %max3A_195 : vector<128x8xf32>
    %exp3A_215 = math.exp %sub3A_214 : vector<128x8xf32>
    %sub3A_216 = arith.subf %mul3A_146, %max3A_195 : vector<128x8xf32>
    %exp3A_217 = math.exp %sub3A_216 : vector<128x8xf32>
    %sub3A_218 = arith.subf %mul3A_158, %max3A_195 : vector<128x8xf32>
    %exp3A_219 = math.exp %sub3A_218 : vector<128x8xf32>
    %sub3A_220 = arith.subf %mul3A_170, %max3A_195 : vector<128x8xf32>
    %exp3A_221 = math.exp %sub3A_220 : vector<128x8xf32>
    %sub3A_222 = arith.subf %mul3A_182, %max3A_195 : vector<128x8xf32>
    %exp3A_223 = math.exp %sub3A_222 : vector<128x8xf32>
    %sub3A_224 = arith.subf %mul3A_194, %max3A_195 : vector<128x8xf32>
    %exp3A_225 = math.exp %sub3A_224 : vector<128x8xf32>
    %add3A = arith.addf %exp3A, %exp3A_197 : vector<128x8xf32>
    %add3A_226 = arith.addf %add3A, %exp3A_199 : vector<128x8xf32>
    %add3A_227 = arith.addf %add3A_226, %exp3A_201 : vector<128x8xf32>
    %add3A_228 = arith.addf %add3A_227, %exp3A_203 : vector<128x8xf32>
    %add3A_229 = arith.addf %add3A_228, %exp3A_205 : vector<128x8xf32>
    %add3A_230 = arith.addf %add3A_229, %exp3A_207 : vector<128x8xf32>
    %add3A_231 = arith.addf %add3A_230, %exp3A_209 : vector<128x8xf32>
    %add3A_232 = arith.addf %add3A_231, %exp3A_211 : vector<128x8xf32>
    %add3A_233 = arith.addf %add3A_232, %exp3A_213 : vector<128x8xf32>
    %add3A_234 = arith.addf %add3A_233, %exp3A_215 : vector<128x8xf32>
    %add3A_235 = arith.addf %add3A_234, %exp3A_217 : vector<128x8xf32>
    %add3A_236 = arith.addf %add3A_235, %exp3A_219 : vector<128x8xf32>
    %add3A_237 = arith.addf %add3A_236, %exp3A_221 : vector<128x8xf32>
    %add3A_238 = arith.addf %add3A_237, %exp3A_223 : vector<128x8xf32>
    %add3A_239 = arith.addf %add3A_238, %exp3A_225 : vector<128x8xf32>
    %div3A = arith.constant 1.000000e+00 : f32
    %div3A_240 = vector.broadcast %div3A : f32 to vector<128x8xf32>
    %div3A_241 = arith.divf %div3A_240, %add3A_239 : vector<128x8xf32>
    %dot_general3A_242 = arith.constant dense<0.000000e+00> : vector<128x512xf32>
    %dot_general3A_243 = tpu.matmul %exp3A, %get3A_7, %dot_general3A_242 {dimension_numbers = #tpu.dot_dimension_numbers<[1], [0], [0], [1], [0, 0, 1, 1], [], []>, transpose_lhs_hint = false} : vector<128x8xf32>, vector<8x512xf32>, vector<128x512xf32> -> vector<128x512xf32>
    %get3A_244 = arith.constant 0 : index
    %get3A_245 = arith.constant 0 : index
    %get3A_246 = arith.constant 0 : index
    %get3A_247 = vector.load %arg3[%get3A_244, %get3A_245, %get3A_246] : memref<16x128x512xf32, #tpu.memory_space<vmem>>, vector<1x128x512xf32>
    %get3A_248 = vector.shape_cast %get3A_247 : vector<1x128x512xf32> to vector<128x512xf32>
    %mul3A_249 = arith.mulf %dot_general3A_243, %get3A_248 : vector<128x512xf32>
    %dot_general3A_250 = arith.constant dense<0.000000e+00> : vector<128x512xf32>
    %dot_general3A_251 = tpu.matmul %exp3A_197, %get3A_7, %dot_general3A_250 {dimension_numbers = #tpu.dot_dimension_numbers<[1], [0], [0], [1], [0, 0, 1, 1], [], []>, transpose_lhs_hint = false} : vector<128x8xf32>, vector<8x512xf32>, vector<128x512xf32> -> vector<128x512xf32>
    %get3A_252 = arith.constant 1 : index
    %get3A_253 = arith.constant 0 : index
    %get3A_254 = arith.constant 0 : index
    %get3A_255 = vector.load %arg3[%get3A_252, %get3A_253, %get3A_254] : memref<16x128x512xf32, #tpu.memory_space<vmem>>, vector<1x128x512xf32>
    %get3A_256 = vector.shape_cast %get3A_255 : vector<1x128x512xf32> to vector<128x512xf32>
    %mul3A_257 = arith.mulf %dot_general3A_251, %get3A_256 : vector<128x512xf32>
    %add3A_258 = arith.addf %mul3A_249, %mul3A_257 : vector<128x512xf32>
    %dot_general3A_259 = arith.constant dense<0.000000e+00> : vector<128x512xf32>
    %dot_general3A_260 = tpu.matmul %exp3A_199, %get3A_7, %dot_general3A_259 {dimension_numbers = #tpu.dot_dimension_numbers<[1], [0], [0], [1], [0, 0, 1, 1], [], []>, transpose_lhs_hint = false} : vector<128x8xf32>, vector<8x512xf32>, vector<128x512xf32> -> vector<128x512xf32>
    %get3A_261 = arith.constant 2 : index
    %get3A_262 = arith.constant 0 : index
    %get3A_263 = arith.constant 0 : index
    %get3A_264 = vector.load %arg3[%get3A_261, %get3A_262, %get3A_263] : memref<16x128x512xf32, #tpu.memory_space<vmem>>, vector<1x128x512xf32>
    %get3A_265 = vector.shape_cast %get3A_264 : vector<1x128x512xf32> to vector<128x512xf32>
    %mul3A_266 = arith.mulf %dot_general3A_260, %get3A_265 : vector<128x512xf32>
    %add3A_267 = arith.addf %add3A_258, %mul3A_266 : vector<128x512xf32>
    %dot_general3A_268 = arith.constant dense<0.000000e+00> : vector<128x512xf32>
    %dot_general3A_269 = tpu.matmul %exp3A_201, %get3A_7, %dot_general3A_268 {dimension_numbers = #tpu.dot_dimension_numbers<[1], [0], [0], [1], [0, 0, 1, 1], [], []>, transpose_lhs_hint = false} : vector<128x8xf32>, vector<8x512xf32>, vector<128x512xf32> -> vector<128x512xf32>
    %get3A_270 = arith.constant 3 : index
    %get3A_271 = arith.constant 0 : index
    %get3A_272 = arith.constant 0 : index
    %get3A_273 = vector.load %arg3[%get3A_270, %get3A_271, %get3A_272] : memref<16x128x512xf32, #tpu.memory_space<vmem>>, vector<1x128x512xf32>
    %get3A_274 = vector.shape_cast %get3A_273 : vector<1x128x512xf32> to vector<128x512xf32>
    %mul3A_275 = arith.mulf %dot_general3A_269, %get3A_274 : vector<128x512xf32>
    %add3A_276 = arith.addf %add3A_267, %mul3A_275 : vector<128x512xf32>
    %dot_general3A_277 = arith.constant dense<0.000000e+00> : vector<128x512xf32>
    %dot_general3A_278 = tpu.matmul %exp3A_203, %get3A_7, %dot_general3A_277 {dimension_numbers = #tpu.dot_dimension_numbers<[1], [0], [0], [1], [0, 0, 1, 1], [], []>, transpose_lhs_hint = false} : vector<128x8xf32>, vector<8x512xf32>, vector<128x512xf32> -> vector<128x512xf32>
    %get3A_279 = arith.constant 4 : index
    %get3A_280 = arith.constant 0 : index
    %get3A_281 = arith.constant 0 : index
    %get3A_282 = vector.load %arg3[%get3A_279, %get3A_280, %get3A_281] : memref<16x128x512xf32, #tpu.memory_space<vmem>>, vector<1x128x512xf32>
    %get3A_283 = vector.shape_cast %get3A_282 : vector<1x128x512xf32> to vector<128x512xf32>
    %mul3A_284 = arith.mulf %dot_general3A_278, %get3A_283 : vector<128x512xf32>
    %add3A_285 = arith.addf %add3A_276, %mul3A_284 : vector<128x512xf32>
    %dot_general3A_286 = arith.constant dense<0.000000e+00> : vector<128x512xf32>
    %dot_general3A_287 = tpu.matmul %exp3A_205, %get3A_7, %dot_general3A_286 {dimension_numbers = #tpu.dot_dimension_numbers<[1], [0], [0], [1], [0, 0, 1, 1], [], []>, transpose_lhs_hint = false} : vector<128x8xf32>, vector<8x512xf32>, vector<128x512xf32> -> vector<128x512xf32>
    %get3A_288 = arith.constant 5 : index
    %get3A_289 = arith.constant 0 : index
    %get3A_290 = arith.constant 0 : index
    %get3A_291 = vector.load %arg3[%get3A_288, %get3A_289, %get3A_290] : memref<16x128x512xf32, #tpu.memory_space<vmem>>, vector<1x128x512xf32>
    %get3A_292 = vector.shape_cast %get3A_291 : vector<1x128x512xf32> to vector<128x512xf32>
    %mul3A_293 = arith.mulf %dot_general3A_287, %get3A_292 : vector<128x512xf32>
    %add3A_294 = arith.addf %add3A_285, %mul3A_293 : vector<128x512xf32>
    %dot_general3A_295 = arith.constant dense<0.000000e+00> : vector<128x512xf32>
    %dot_general3A_296 = tpu.matmul %exp3A_207, %get3A_7, %dot_general3A_295 {dimension_numbers = #tpu.dot_dimension_numbers<[1], [0], [0], [1], [0, 0, 1, 1], [], []>, transpose_lhs_hint = false} : vector<128x8xf32>, vector<8x512xf32>, vector<128x512xf32> -> vector<128x512xf32>
    %get3A_297 = arith.constant 6 : index
    %get3A_298 = arith.constant 0 : index
    %get3A_299 = arith.constant 0 : index
    %get3A_300 = vector.load %arg3[%get3A_297, %get3A_298, %get3A_299] : memref<16x128x512xf32, #tpu.memory_space<vmem>>, vector<1x128x512xf32>
    %get3A_301 = vector.shape_cast %get3A_300 : vector<1x128x512xf32> to vector<128x512xf32>
    %mul3A_302 = arith.mulf %dot_general3A_296, %get3A_301 : vector<128x512xf32>
    %add3A_303 = arith.addf %add3A_294, %mul3A_302 : vector<128x512xf32>
    %dot_general3A_304 = arith.constant dense<0.000000e+00> : vector<128x512xf32>
    %dot_general3A_305 = tpu.matmul %exp3A_209, %get3A_7, %dot_general3A_304 {dimension_numbers = #tpu.dot_dimension_numbers<[1], [0], [0], [1], [0, 0, 1, 1], [], []>, transpose_lhs_hint = false} : vector<128x8xf32>, vector<8x512xf32>, vector<128x512xf32> -> vector<128x512xf32>
    %get3A_306 = arith.constant 7 : index
    %get3A_307 = arith.constant 0 : index
    %get3A_308 = arith.constant 0 : index
    %get3A_309 = vector.load %arg3[%get3A_306, %get3A_307, %get3A_308] : memref<16x128x512xf32, #tpu.memory_space<vmem>>, vector<1x128x512xf32>
    %get3A_310 = vector.shape_cast %get3A_309 : vector<1x128x512xf32> to vector<128x512xf32>
    %mul3A_311 = arith.mulf %dot_general3A_305, %get3A_310 : vector<128x512xf32>
    %add3A_312 = arith.addf %add3A_303, %mul3A_311 : vector<128x512xf32>
    %dot_general3A_313 = arith.constant dense<0.000000e+00> : vector<128x512xf32>
    %dot_general3A_314 = tpu.matmul %exp3A_211, %get3A_7, %dot_general3A_313 {dimension_numbers = #tpu.dot_dimension_numbers<[1], [0], [0], [1], [0, 0, 1, 1], [], []>, transpose_lhs_hint = false} : vector<128x8xf32>, vector<8x512xf32>, vector<128x512xf32> -> vector<128x512xf32>
    %get3A_315 = arith.constant 8 : index
    %get3A_316 = arith.constant 0 : index
    %get3A_317 = arith.constant 0 : index
    %get3A_318 = vector.load %arg3[%get3A_315, %get3A_316, %get3A_317] : memref<16x128x512xf32, #tpu.memory_space<vmem>>, vector<1x128x512xf32>
    %get3A_319 = vector.shape_cast %get3A_318 : vector<1x128x512xf32> to vector<128x512xf32>
    %mul3A_320 = arith.mulf %dot_general3A_314, %get3A_319 : vector<128x512xf32>
    %add3A_321 = arith.addf %add3A_312, %mul3A_320 : vector<128x512xf32>
    %dot_general3A_322 = arith.constant dense<0.000000e+00> : vector<128x512xf32>
    %dot_general3A_323 = tpu.matmul %exp3A_213, %get3A_7, %dot_general3A_322 {dimension_numbers = #tpu.dot_dimension_numbers<[1], [0], [0], [1], [0, 0, 1, 1], [], []>, transpose_lhs_hint = false} : vector<128x8xf32>, vector<8x512xf32>, vector<128x512xf32> -> vector<128x512xf32>
    %get3A_324 = arith.constant 9 : index
    %get3A_325 = arith.constant 0 : index
    %get3A_326 = arith.constant 0 : index
    %get3A_327 = vector.load %arg3[%get3A_324, %get3A_325, %get3A_326] : memref<16x128x512xf32, #tpu.memory_space<vmem>>, vector<1x128x512xf32>
    %get3A_328 = vector.shape_cast %get3A_327 : vector<1x128x512xf32> to vector<128x512xf32>
    %mul3A_329 = arith.mulf %dot_general3A_323, %get3A_328 : vector<128x512xf32>
    %add3A_330 = arith.addf %add3A_321, %mul3A_329 : vector<128x512xf32>
    %dot_general3A_331 = arith.constant dense<0.000000e+00> : vector<128x512xf32>
    %dot_general3A_332 = tpu.matmul %exp3A_215, %get3A_7, %dot_general3A_331 {dimension_numbers = #tpu.dot_dimension_numbers<[1], [0], [0], [1], [0, 0, 1, 1], [], []>, transpose_lhs_hint = false} : vector<128x8xf32>, vector<8x512xf32>, vector<128x512xf32> -> vector<128x512xf32>
    %get3A_333 = arith.constant 10 : index
    %get3A_334 = arith.constant 0 : index
    %get3A_335 = arith.constant 0 : index
    %get3A_336 = vector.load %arg3[%get3A_333, %get3A_334, %get3A_335] : memref<16x128x512xf32, #tpu.memory_space<vmem>>, vector<1x128x512xf32>
    %get3A_337 = vector.shape_cast %get3A_336 : vector<1x128x512xf32> to vector<128x512xf32>
    %mul3A_338 = arith.mulf %dot_general3A_332, %get3A_337 : vector<128x512xf32>
    %add3A_339 = arith.addf %add3A_330, %mul3A_338 : vector<128x512xf32>
    %dot_general3A_340 = arith.constant dense<0.000000e+00> : vector<128x512xf32>
    %dot_general3A_341 = tpu.matmul %exp3A_217, %get3A_7, %dot_general3A_340 {dimension_numbers = #tpu.dot_dimension_numbers<[1], [0], [0], [1], [0, 0, 1, 1], [], []>, transpose_lhs_hint = false} : vector<128x8xf32>, vector<8x512xf32>, vector<128x512xf32> -> vector<128x512xf32>
    %get3A_342 = arith.constant 11 : index
    %get3A_343 = arith.constant 0 : index
    %get3A_344 = arith.constant 0 : index
    %get3A_345 = vector.load %arg3[%get3A_342, %get3A_343, %get3A_344] : memref<16x128x512xf32, #tpu.memory_space<vmem>>, vector<1x128x512xf32>
    %get3A_346 = vector.shape_cast %get3A_345 : vector<1x128x512xf32> to vector<128x512xf32>
    %mul3A_347 = arith.mulf %dot_general3A_341, %get3A_346 : vector<128x512xf32>
    %add3A_348 = arith.addf %add3A_339, %mul3A_347 : vector<128x512xf32>
    %dot_general3A_349 = arith.constant dense<0.000000e+00> : vector<128x512xf32>
    %dot_general3A_350 = tpu.matmul %exp3A_219, %get3A_7, %dot_general3A_349 {dimension_numbers = #tpu.dot_dimension_numbers<[1], [0], [0], [1], [0, 0, 1, 1], [], []>, transpose_lhs_hint = false} : vector<128x8xf32>, vector<8x512xf32>, vector<128x512xf32> -> vector<128x512xf32>
    %get3A_351 = arith.constant 12 : index
    %get3A_352 = arith.constant 0 : index
    %get3A_353 = arith.constant 0 : index
    %get3A_354 = vector.load %arg3[%get3A_351, %get3A_352, %get3A_353] : memref<16x128x512xf32, #tpu.memory_space<vmem>>, vector<1x128x512xf32>
    %get3A_355 = vector.shape_cast %get3A_354 : vector<1x128x512xf32> to vector<128x512xf32>
    %mul3A_356 = arith.mulf %dot_general3A_350, %get3A_355 : vector<128x512xf32>
    %add3A_357 = arith.addf %add3A_348, %mul3A_356 : vector<128x512xf32>
    %dot_general3A_358 = arith.constant dense<0.000000e+00> : vector<128x512xf32>
    %dot_general3A_359 = tpu.matmul %exp3A_221, %get3A_7, %dot_general3A_358 {dimension_numbers = #tpu.dot_dimension_numbers<[1], [0], [0], [1], [0, 0, 1, 1], [], []>, transpose_lhs_hint = false} : vector<128x8xf32>, vector<8x512xf32>, vector<128x512xf32> -> vector<128x512xf32>
    %get3A_360 = arith.constant 13 : index
    %get3A_361 = arith.constant 0 : index
    %get3A_362 = arith.constant 0 : index
    %get3A_363 = vector.load %arg3[%get3A_360, %get3A_361, %get3A_362] : memref<16x128x512xf32, #tpu.memory_space<vmem>>, vector<1x128x512xf32>
    %get3A_364 = vector.shape_cast %get3A_363 : vector<1x128x512xf32> to vector<128x512xf32>
    %mul3A_365 = arith.mulf %dot_general3A_359, %get3A_364 : vector<128x512xf32>
    %add3A_366 = arith.addf %add3A_357, %mul3A_365 : vector<128x512xf32>
    %dot_general3A_367 = arith.constant dense<0.000000e+00> : vector<128x512xf32>
    %dot_general3A_368 = tpu.matmul %exp3A_223, %get3A_7, %dot_general3A_367 {dimension_numbers = #tpu.dot_dimension_numbers<[1], [0], [0], [1], [0, 0, 1, 1], [], []>, transpose_lhs_hint = false} : vector<128x8xf32>, vector<8x512xf32>, vector<128x512xf32> -> vector<128x512xf32>
    %get3A_369 = arith.constant 14 : index
    %get3A_370 = arith.constant 0 : index
    %get3A_371 = arith.constant 0 : index
    %get3A_372 = vector.load %arg3[%get3A_369, %get3A_370, %get3A_371] : memref<16x128x512xf32, #tpu.memory_space<vmem>>, vector<1x128x512xf32>
    %get3A_373 = vector.shape_cast %get3A_372 : vector<1x128x512xf32> to vector<128x512xf32>
    %mul3A_374 = arith.mulf %dot_general3A_368, %get3A_373 : vector<128x512xf32>
    %add3A_375 = arith.addf %add3A_366, %mul3A_374 : vector<128x512xf32>
    %dot_general3A_376 = arith.constant dense<0.000000e+00> : vector<128x512xf32>
    %dot_general3A_377 = tpu.matmul %exp3A_225, %get3A_7, %dot_general3A_376 {dimension_numbers = #tpu.dot_dimension_numbers<[1], [0], [0], [1], [0, 0, 1, 1], [], []>, transpose_lhs_hint = false} : vector<128x8xf32>, vector<8x512xf32>, vector<128x512xf32> -> vector<128x512xf32>
    %get3A_378 = arith.constant 15 : index
    %get3A_379 = arith.constant 0 : index
    %get3A_380 = arith.constant 0 : index
    %get3A_381 = vector.load %arg3[%get3A_378, %get3A_379, %get3A_380] : memref<16x128x512xf32, #tpu.memory_space<vmem>>, vector<1x128x512xf32>
    %get3A_382 = vector.shape_cast %get3A_381 : vector<1x128x512xf32> to vector<128x512xf32>
    %mul3A_383 = arith.mulf %dot_general3A_377, %get3A_382 : vector<128x512xf32>
    %add3A_384 = arith.addf %add3A_375, %mul3A_383 : vector<128x512xf32>
    %dot_general3A_385 = arith.constant dense<0.000000e+00> : vector<128x512xf32>
    %dot_general3A_386 = tpu.matmul %div3A_241, %get3A_7, %dot_general3A_385 {dimension_numbers = #tpu.dot_dimension_numbers<[1], [0], [0], [1], [0, 0, 1, 1], [], []>, transpose_lhs_hint = false} : vector<128x8xf32>, vector<8x512xf32>, vector<128x512xf32> -> vector<128x512xf32>
    %mul3A_387 = arith.mulf %add3A_384, %dot_general3A_386 : vector<128x512xf32>
    %get3A_388 = arith.constant 0 : index
    %get3A_389 = arith.constant 0 : index
    %get3A_390 = vector.load %arg6[%get3A_388, %get3A_389] : memref<512x512xf32, #tpu.memory_space<vmem>>, vector<512x512xf32>
    %dot_general3A_391 = arith.constant dense<0.000000e+00> : vector<128x512xf32>
    %dot_general3A_392 = tpu.matmul %mul3A_387, %get3A_390, %dot_general3A_391 {dimension_numbers = #tpu.dot_dimension_numbers<[1], [0], [0], [1], [0, 0, 1, 1], [], []>, transpose_lhs_hint = false} : vector<128x512xf32>, vector<512x512xf32>, vector<128x512xf32> -> vector<128x512xf32>
    %get3A_393 = arith.constant 0 : index
    %get3A_394 = arith.constant 0 : index
    %get3A_395 = vector.load %arg7[%get3A_393, %get3A_394] : memref<1x512xf32, #tpu.memory_space<vmem>>, vector<1x512xf32>
    %add3A_396 = vector.broadcast %get3A_395 : vector<1x512xf32> to vector<128x512xf32>
    %add3A_397 = arith.addf %dot_general3A_392, %add3A_396 : vector<128x512xf32>
    %swap3A = arith.constant 0 : index
    %swap3A_398 = arith.constant 0 : index
    %swap3A_399 = vector.load %arg8[%swap3A, %swap3A_398] : memref<128x512xf32, #tpu.memory_space<vmem>>, vector<128x512xf32>
    tpu.vector_store %arg8[%swap3A, %swap3A_398], %add3A_397 {strides = array<i32>} : memref<128x512xf32, #tpu.memory_space<vmem>>, vector<128x512xf32>,
    return
  }
  func.func @transform_0(%arg0: i32) -> (i32, i32) {
    %c0_i32 = arith.constant 0 : i32
    %c0_i32_0 = arith.constant 0 : i32
    return %arg0, %c0_i32 : i32, i32
  }
  func.func @transform_1(%arg0: i32) -> (i32, i32, i32) {
    %c0_i32 = arith.constant 0 : i32
    %c0_i32_0 = arith.constant 0 : i32
    %c0_i32_1 = arith.constant 0 : i32
    return %c0_i32, %arg0, %c0_i32_0 : i32, i32, i32
  }
  func.func @transform_2(%arg0: i32) -> (i32, i32, i32) {
    %c0_i32 = arith.constant 0 : i32
    %c0_i32_0 = arith.constant 0 : i32
    %c0_i32_1 = arith.constant 0 : i32
    return %c0_i32, %arg0, %c0_i32_0 : i32, i32, i32
  }
  func.func @transform_3(%arg0: i32) -> (i32, i32) {
    %c0_i32 = arith.constant 0 : i32
    %c0_i32_0 = arith.constant 0 : i32
    %c0_i32_1 = arith.constant 0 : i32
    return %c0_i32, %c0_i32_0 : i32, i32
  }
  func.func @transform_4(%arg0: i32) -> (i32, i32) {
    %c0_i32 = arith.constant 0 : i32
    %c0_i32_0 = arith.constant 0 : i32
    %c0_i32_1 = arith.constant 0 : i32
    return %c0_i32, %c0_i32_0 : i32, i32
  }
  func.func @transform_5(%arg0: i32) -> (i32, i32) {
    %c0_i32 = arith.constant 0 : i32
    %c0_i32_0 = arith.constant 0 : i32
    %c0_i32_1 = arith.constant 0 : i32
    return %c0_i32, %c0_i32_0 : i32, i32
  }
  func.func @transform_6(%arg0: i32) -> (i32, i32) {
    %c0_i32 = arith.constant 0 : i32
    %c0_i32_0 = arith.constant 0 : i32
    %c0_i32_1 = arith.constant 0 : i32
    return %c0_i32, %c0_i32_0 : i32, i32
  }
  func.func @transform_7(%arg0: i32) -> (i32, i32) {
    %c0_i32 = arith.constant 0 : i32
    %c0_i32_0 = arith.constant 0 : i32
    return %arg0, %c0_i32 : i32, i32
  }
}

</mosaic_0001>

<sc_bundles>
// kernel: kernel.8.cloned.1.call-start
scs
__scs_entry_jumppad:
0x0: {  	(pc) =	sbr.rel $0x88, $3  }
0x1: {  	(tag) =	ssettag $0x0;
	lr =	simm.s32 $0x1  }
0x2: {  	[smem:$0x3F92] =	sst lr;
	_ =	strace $0xD0000000  }
0x3: {  	_ = 	snop  }
0x4: {  	_ = 	snop  }
0x5: {  	_ = 	snop  }
0x6: {  	_ = 	snop  }
0x7: {  	_ = 	snop  }
__scs_overlays_trampoline_lowered:
0x8: {  	[smem:$0x3FA1] =	sst s0  }
0x9: {  	[smem:$0x3FA2] =	sst s1  }
0xa: {  	[smem:$0x3FA3] =	sst s2  }
0xb: {  	[smem:$0x3FA4] =	sst s3  }
0xc: {  	[smem:$0x3FA5] =	sst s4  }
0xd: {  	[smem:$0x3FA6] =	sst s5  }
0xe: {  	[smem:$0x3FA7] =	sst s6  }
0xf: {  	[smem:$0x3FA8] =	sst s7  }
0x10: {  	[smem:$0x3FA9] =	sst s8  }
0x11: {  	[smem:$0x3FAA] =	sst s9;
	s0 =	simm.s32 @!p0 $0x0  }
0x12: {  	s1 =	sld [smem:$0x3F90];
	s0 =	simm.s32 @p0 $0x1  }
0x13: {  	[smem:$0x3FAB] =	sst s0;
	s0 =	simm.s32 @!p1 $0x0  }
0x14: {  	s2 =	sld [smem:$0x3F8F];
	s0 =	simm.s32 @p1 $0x1  }
0x15: {  	[smem:$0x3FAC] =	sst s0;
	s0 =	simm.s32 @!p2 $0x0  }
0x16: {  	s3 =	sld [smem:$0x3FDB];
	s0 =	simm.s32 @p2 $0x1  }
0x17: {  	s4 =	simm.s32 $0x1BF5;
	[smem:$0x3FAE] =	sst s0  }
0x18: {  	s0 =	sld [smem:$0x3F91];
	_ =	swait.ge [sflag:s4], $0x0  }
0x19: {  	s7 =	sld [smem:$0x3F92]  }
0x1a: {  	s8 =	sadd.s32 $0xFFFFE003, lr  }
0x1b: {  	s9 =	sadd.s32 $0xFFFFFEF7, lr;
	s5 =	simm.s32 $0xFFFFFFFF;
	p2 =	slt.u32 s8, $0xFFFFF086  }
0x1c: {  	p1 =	slt.u32 s9, $0xF7A;
	s5 =	simm.s32 @!p2 $0x0  }
0x1d: {  	s5 =	simm.s32 @p1 $0x1;
	p0 =	seq.s32 s7, s2  }
0x1e: {  	s7 =	smul.u32 @!p0 $0xF7A, s2;
	p2 =	seq.s32 @!p0 s5, $0x0  }
0x1f: {  	s9 =	smul.u32 $0xF7A, s1;
	s8 =	simm.s32 @!p0 $0x1BF5;
	p2 =	por !p2, p0  }
0x20: {  	[sflag:s8] =	ssyncset.s32 @!p0 $0xFFFFF086;
	s6 =	sadd.s32 @!p0 s3, s7;
	s7 =	simm.s32 @!p0 $0x108  }
0x21: {  	s3 =	sadd.s32 s3, s9;
	s6 =	sadd.s32 @!p0 $0x88, s6;
	s7 =	simm.s32 @p2 $0x1082  }
0x22: {  	[simem:s7], [sflag:s8] =	dma.local @!p0 [hbm:s6], $0xF7A  }
0x23: {  	s9 =	sor.u32 $0xD0000000, s2;
	s6 =	simm.s32 $0x108;
	_ =	swait.ge @!p0 [sflag:s8], $0x0  }
0x24: {  	s3 =	sadd.s32 $0x88, s3;
	s6 =	simm.s32 @!p1 $0x1082;
	[sflag:s4] =	ssyncset.s32 $0xFFFFF086  }
0x25: {  	[simem:s6], [sflag:s4] =	dma.local [hbm:s3], $0xF7A  }
0x26: {  	[smem:$0x3F92] =	sst s1;
	(tag) =	ssettag s2;
	_ =	strace s9  }
0x27: {  	s1 =	sld [smem:$0x3FA2]  }
0x28: {  	s2 =	sld [smem:$0x3FA3]  }
0x29: {  	s4 =	sld [smem:$0x3FA5]  }
0x2a: {  	p0 =	seq.s32 s5, $0x0;
	s5 =	sld [smem:$0x3FA6]  }
0x2b: {  	s6 =	sld [smem:$0x3FA7]  }
0x2c: {  	s7 =	sld [smem:$0x3FA8]  }
0x2d: {  	s3 =	simm.s32 $0x108;
	s8 =	sld [smem:$0x3FA9]  }
0x2e: {  	s3 =	simm.s32 @!p0 $0x1082;
	s9 =	sld [smem:$0x3FAA]  }
0x2f: {  	lr =	sadd.s32 s0, s3;
	s0 =	sld [smem:$0x3FA1]  }
0x30: {  	s3 =	sld [smem:$0x3FA4]  }
0x31: {  	[smem:$0x3FAD] =	sst s10  }
0x32: {  	s10 =	sld [smem:$0x3FAB];
	_ =	sdelay $0x3  }
0x33: {  	p0 =	seq.s32 s10, $0x1;
	s10 =	sld [smem:$0x3FAD];
	_ =	sdelay $0x3  }
0x34: {  	[smem:$0x3FAD] =	sst s10  }
0x35: {  	s10 =	sld [smem:$0x3FAC];
	_ =	sdelay $0x3  }
0x36: {  	p1 =	seq.s32 s10, $0x1;
	s10 =	sld [smem:$0x3FAD];
	_ =	sdelay $0x3  }
0x37: {  	[smem:$0x3FAD] =	sst s10  }
0x38: {  	s10 =	sld [smem:$0x3FAE]  }
0x39: {  	_ = 	snop;
	(pc) =	sbr.ind lr, $3  }
0x3a: {  	_ = 	snop  }
0x3b: {  	_ = 	snop  }
0x3c: {  	p2 =	seq.s32 s10, $0x1;
	s10 =	sld [smem:$0x3FAD]  }
0x3d: {  	_ =	shalt  }
0x3e: {  	_ =	shalt  }
0x3f: {  	_ =	shalt  }
0x40: {  	_ =	shalt  }
0x41: {  	_ =	shalt  }
0x42: {  	_ =	shalt  }
0x43: {  	_ =	shalt  }
0x44: {  	_ =	shalt  }
0x45: {  	_ =	shalt  }
0x46: {  	_ =	shalt  }
0x47: {  	_ =	shalt  }
0x48: {  	_ =	shalt  }
0x49: {  	_ =	shalt  }
0x4a: {  	_ =	shalt  }
0x4b: {  	_ =	shalt  }
0x4c: {  	_ =	shalt  }
0x4d: {  	_ =	shalt  }
0x4e: {  	_ =	shalt  }
0x4f: {  	_ =	shalt  }
0x50: {  	_ =	shalt  }
0x51: {  	_ =	shalt  }
0x52: {  	_ =	shalt  }
0x53: {  	_ =	shalt  }
0x54: {  	_ =	shalt  }
0x55: {  	_ =	shalt  }
0x56: {  	_ =	shalt  }
0x57: {  	_ =	shalt  }
0x58: {  	_ =	shalt  }
0x59: {  	_ =	shalt  }
0x5a: {  	_ =	shalt  }
0x5b: {  	_ =	shalt  }
0x5c: {  	_ =	shalt  }
0x5d: {  	_ =	shalt  }
0x5e: {  	_ =	shalt  }
0x5f: {  	_ =	shalt  }
0x60: {  	_ =	shalt  }
0x61: {  	_ =	shalt  }
0x62: {  	_ =	shalt  }
0x63: {  	_ =	shalt  }
0x64: {  	_ =	shalt  }
0x65: {  	_ =	shalt  }
0x66: {  	_ =	shalt  }
0x67: {  	_ =	shalt  }
0x68: {  	_ =	shalt  }
0x69: {  	_ =	shalt  }
0x6a: {  	_ =	shalt  }
0x6b: {  	_ =	shalt  }
0x6c: {  	_ =	shalt  }
0x6d: {  	_ =	shalt  }
0x6e: {  	_ =	shalt  }
0x6f: {  	_ =	shalt  }
0x70: {  	_ =	shalt  }
0x71: {  	_ =	shalt  }
0x72: {  	_ =	shalt  }
0x73: {  	_ =	shalt  }
0x74: {  	_ =	shalt  }
0x75: {  	_ =	shalt  }
0x76: {  	_ =	shalt  }
0x77: {  	_ =	shalt  }
0x78: {  	_ =	shalt  }
0x79: {  	_ =	shalt  }
0x7a: {  	_ =	shalt  }
0x7b: {  	_ =	shalt  }
0x7c: {  	_ =	shalt  }
0x7d: {  	_ =	shalt  }
0x7e: {  	_ =	shalt  }
0x7f: {  	_ =	shalt  }
0x80: {  	_ =	shalt  }
0x81: {  	_ =	shalt  }
0x82: {  	_ =	shalt  }
0x83: {  	_ =	shalt  }
0x84: {  	_ =	shalt  }
0x85: {  	_ =	shalt  }
0x86: {  	_ =	shalt  }
0x87: {  	_ =	shalt  }
.Lfunc_end0:
.L_simem_size_0:
called_computation_lowered:
.L_overlay_start_0:
0x88: {  	s2 =	sld [smem:$0x3FD9]  }
0x89: {  	s3 =	sld [smem:$0x3FFE];
	_ =	sdelay $0x1  }
0x8a: {  	s1 =	srdreg.scid  }
0x8b: {  	s0 =	sand.u32 $0x1, s1  }
0x8c: {  	s16 =	sshll.u32 s0, $0xA;
	s2 =	sadd.s32 s3, s2  }
0x8d: {  	s2 =	sadd.s32 s2, s16  }
0x8e: {  	[smem:$0x3FB9] =	sst s2  }
0x8f: {  	_ = 	snop  }
0x90: {  	(tm) =	ssettm $0x1  }
0x91: {  	s17 =	sld [smem:$0x3FFB];
	_ =	sdelay $0x3  }
0x92: {  	_ =	strace s17  }
0x93: {  	s2 =	sld [smem:$0x3FFC];
	_ =	sdelay $0x3  }
0x94: {  	_ =	strace s2  }
0x95: {  	s2 =	sld [smem:$0x3FFD];
	_ =	sdelay $0x3  }
0x96: {  	_ =	strace s2  }
0x97: {  	_ =	strace $0x8FFFFFFF  }
0x98: {  	s18 =	sld [smem:$0x3FDB];
	_ =	sdelay $0x1  }
0x99: {  	s19 =	simm.s32 $_scs_section_size  }
0x9a: {  	s4 =	simm.s32 $_size__tile_overlayer_lowered;
	s5 =	simm.s32 $_tile_overlayer_lowered  }
0x9b: {  	s22 =	simm.s32 $0x1BFF;
	s21 =	sshll.u32 s5, $0x1;
	s2 =	sadd.s32 s19, s18  }
0x9c: {  	s6 =	simm.s32 $0x0;
	s20 =	sshll.u32 s4, $0x1;
	s4 =	sadd.s32 s21, s2  }
0x9d: {  	[timem:s6], [sflag:s22] =	dma.local [hbm:s4], s20  }
0x9e: {  	_ =	swait.ge [sflag:s22], s20  }
0x9f: {  	s3 =	ssub.s32 $0x0, s20;
	[sflag:s22] =	ssyncset.done $0x0  }
0xa0: {  	[sflag:s22] =	ssyncadd.s32 s3;
	_ =	sdelay $0x1  }
0xa1: {  	s23 =	simm.s32 $0x1B8B  }
0xa2: {  	_ =	swait.ge [sflag:s23], $0x1  }
0xa3: {  	[sflag:s23] =	ssyncset.done $0x0  }
0xa4: {  	s25 =	simm.s32 $0x1B8E;
	s24 =	sld [smem:$0x3FFE];
	[sflag:s23] =	ssyncadd.s32 $0xFFFFFFFF  }
0xa5: {  	s26 =	simm.s32 $execute0_lowered;
	[smem:$0x3FD2] =	sst s25  }
0xa6: {  	s4 =	sshll.u32 s26, $0x1;
	_ =	strace $0x80000046;
	[dreg:$0x1] =	wrdreg $0xFFFFFFFF  }
0xa7: {  	s28 =	simm.s32 $_size_execute0_lowered;
	s2 =	sadd.s32 s2, s4;
	[dreg:$0x0] =	wrdreg $0x0  }
0xa8: {  	s4 =	sshll.u32 s28, $0x1;
	[dreg:$0x2] =	wrdreg s2  }
0xa9: {  	[dreg:$0x3] =	wrdreg s4  }
0xaa: {  	[dreg:$0x4] =	wrdreg $0xC0  }
0xab: {  	_ =	task [dreg:s6], $0x5FFFF  }
0xac: {  	[dreg:$0x1] =	wrdreg $0xFFFFFFFF  }
0xad: {  	[dreg:$0x0] =	wrdreg $0x60  }
0xae: {  	[dreg:$0x2] =	wrdreg s24  }
0xaf: {  	[dreg:$0x3] =	wrdreg $0x9  }
0xb0: {  	_ =	task.clear_ibuf [dreg:s6], $0x4FFFF;
	_ =	strace $0x90000046  }
0xb1: {  	s29 =	simm.s32 $0x9;
	_ =	strace $0x80000048  }
0xb2: {  	_ =	swait.ge [sflag:s29], $0x1  }
0xb3: {  	[sflag:s29] =	ssyncadd.s32 $0xFFFFFFFF  }
0xb4: {  	_ =	strace $0x90000048  }
0xb5: {  	_ =	sfence  }
0xb6: {  	s30 =	sld [smem:$0x0];
	_ =	sdelay $0x2  }
0xb7: {  	s31 =	sshll.u32 s1, $0xD;
	s1 =	sshrl.u32 s1, $0x2  }
0xb8: {  	s3 =	sand.u32 $0x4000, s31;
	s1 =	sadd.s32 s1, s30  }
0xb9: {  	s0 =	sor.u32 s3, s0;
	s1 =	sshll.u32 s1, $0x11  }
0xba: {  	s0 =	sor.u32 s1, s0  }
0xbb: {  	s0 =	sadd.s32 $0x8F2B, s0  }
0xbc: {  	[sflag:s0] =	ssyncadd.remote.s32 $0x1  }
0xbd: {  	_ =	sfence.sel $0xFFFF  }
0xbe: {  	[dreg:$0x0] =	wrdreg $0xFFFFFFFF;
	(pc) =	sbr.abs _section_cstart, $3  }
0xbf: {  	[dreg:$0x1] =	wrdreg $0xFFFFFFFF  }
0xc0: {  	_ =	task.clear_ibuf [dreg:s6], $0x2FFFF;
	_ =	strace $0x9FFFFFFF  }
0xc1: {  	(tm) =	ssettm $0x7FFFFFFF  }
tec
execute0_lowered:
.L_overlay_start_1:
0x0: {  	(tag) =	ssettag $0x1  }
0x1: {  	s0 =	rddreg [dreg:$0x0];
	s2 =	simm.s32 $0x0;
	s3 =	srdreg.scid  }
0x2: {  	s1 =	stileid.u32;
	s15 =	simm.s32 $0x80;
	s16 =	simm.s32 $0x400  }
0x3: {  	s17 =	simm.s32 $0x2800;
	s18 =	simm.s32 $0x3000;
	s20 =	simm.s32 $0x4000  }
0x4: {  	s21 =	simm.s32 $0x2;
	s22 =	simm.s32 $0x4800;
	s23 =	simm.s32 $0x5000  }
0x5: {  	s24 =	simm.s32 $0x5800;
	s25 =	simm.s32 $0x6000;
	s28 =	simm.s32 $0x0  }
0x6: {  	[smem:$0x7FF] =	sst s2;
	s26 =	sshll.u32 s1, $0x9;
	s6 =	sadd.s32 $0x3A00, s0  }
0x7: {  	s14 =	sand.u32 $0x1, s3;
	s3 =	sadd.s32 $0x405A00, s0;
	s5 =	sadd.s32 $0x605A00, s0  }
0x8: {  	s8 =	sshll.u32 s1, $0xA;
	s9 =	sadd.s32 $0x505B00, s0;
	s30 =	sshll.u32 s1, $0x12  }
0x9: {  	s31 =	sshll.u32 s1, $0x8;
	_ =	strace $0x80000047;
	s4 =	sshll.u32 s14, $0x8  }
0xa: {  	[dreg:$0x2] =	wrdreg s6;
	s6 =	sadd.s32 $0xA05A00, s0;
	s10 =	ssub.s32 $0x2, s14  }
0xb: {  	s19 =	sand.u32 $0x2000, s8;
	s8 =	sadd.s32 $0x405B00, s0;
	s13 =	sshll.u32 s14, $0x11  }
0xc: {  	s14 =	sshll.u32 s14, $0x7;
	[dreg:$0x3] =	wrdreg s15;
	s15 =	simm.s32 $0x4  }
0xd: {  	[dreg:$0x4] =	wrdreg s16;
	s4 =	sor.u32 s4, s26;
	s11 =	sshrl.u32 s10, $0x1  }
0xe: {  	s7 =	sadd.s32 s4, s0;
	s4 =	sadd.s32 $0x505A00, s0;
	s12 =	ssub.s32 s10, s11  }
0xf: {  	v5 =	vlaneseq.u32;
	s10 =	sadd.s32 $0x605B00, s0;
	s11 =	sadd.s32 $0xA05B00, s0;
	s0 =	sor.u32 s13, s30  }
0x10: {  	vm0 =	vmmov $0xffff;
	v1 =	vmul.u32 $0xFFFFFFFF, v5;
	v2 =	vmul.u32 $0x1000, v5;
	s16 =	simm.s32 $0x1;
	s7 =	sadd.s32 $0x403A00, s7;
	[dreg:$0x7] =	wrdreg s0  }
0x11: {  	v4 =	vshrl.u32 v5, $0x3;
	v3 =	vand.u32 $0x7, v5;
	v5 =	vor.u32 $0x8, v5;
	s14 =	sor.u32 s14, s31;
	s29 =	smax.u32 s12, $0x1;
	[dreg:$0x5] =	wrdreg s7  }
0x12: {  	v4 =	vmul.u32 $0x8, v4;
	v0 =	vmov s19;
	s19 =	simm.s32 $0x3800;
	v1 =	vadd.s32 $0xF, v1;
	s26 =	simm.s32 $0x3;
	[dreg:$0x6] =	wrdreg s29  }
.LBB2_1:
0x13: {  	s29 =	simm.s32 $0x2000;
	s0 =	rddreg [dreg:$0x5]  }
0x14: {  	[tilespmem:s29], [sflag:$0x4] =	stream.linear.gather [hbm4b:s0+s2], $0x800, $0x38;
	[tilespmem:$0x6900] =	vst v63  }
0x15: {  	_ =	swait.ge [sflag:s15], $0x800  }
0x16: {  	s30 =	smov.u32 s14;
	[sflag:s15] =	ssyncset.done $0x0  }
0x17: {  	s0 =	simm.s32 $0x0;
	s31 =	rddreg [dreg:$0x7];
	[sflag:s15] =	ssyncadd.s32 $0xFFFFF800  }
.LBB2_2:
0x18: {  	s1 =	rddreg [dreg:$0x2];
	s12 =	sand.u32 $0x70, s0  }
0x19: {  	s7 =	rddreg [dreg:$0x3];
	s1 =	sadd.s32 s1, s12;
	s12 =	sand.u32 $0xFFFE000, s31  }
0x1a: {  	s13 =	rddreg [dreg:$0x4];
	s1 =	sadd.s32 s12, s1  }
0x1b: {  	[tilespmem:s2], [sflag:$0x1] =	stream.strided.gather [hbm4b:s1+s7], $0x2000, s13, s7, $0x38;
	[tilespmem:$0x6900] =	vst v63  }
0x1c: {  	_ =	swait.ge [sflag:s16], $0x2000  }
0x1d: {  	[sflag:s16] =	ssyncset.done $0x0  }
0x1e: {  	[sflag:s16] =	ssyncadd.s32 $0xFFFFE000  }
0x1f: {  	v6 =	vld [tilespmem:s29+$0x0];
	_ =	sdelay $0x4  }
0x20: {  	v7 =	vadd.s32 $0x200, v6;
	_ =	sdelay $0x3  }
0x21: {  	v8 =	vld.idx.msk [tilespmem:v6+s2+$0x0], $0xffff  }
0x22: {  	v9 =	vld.idx.msk [tilespmem:v7+s2+$0x0], $0xffff;
	_ =	sdelay $0x3  }
0x23: {  	(xrf1) =	vsort.ascd.msk.f32 $0xffff, v8, v6  }
0x24: {  	(xrf1) =	vsort.ascd.msk.f32 $0xffff, v9, v7;
	_ =	sdelay $0x9  }
0x25: {  	v7 =	vadd.s32 $0x400, v6;
	_ =	sdelay $0x2  }
0x26: {  	v8, v21, _ =	vpop (xrf1)  }
0x27: {  	v10, v11, _ =	vpop (xrf1)  }
0x28: {  	v12 =	vld.idx.msk [tilespmem:v7+s2+$0x0], $0xffff;
	v10 =	vperm.xlane v10, v1  }
0x29: {  	v11 =	vperm.xlane v11, v1  }
0x2a: {  	vm1 =	vle.f32 v8, v10  }
0x2b: {  	v8 =	vsel vm1, v8, v10;
	v9 =	vsel vm1, v21, v11  }
0x2c: {  	(xrf1) =	vsort.ascd.msk.f32 $0xffff, v8, v9  }
0x2d: {  	(xrf1) =	vsort.ascd.msk.f32 $0xffff, v12, v7;
	_ =	sdelay $0x9  }
0x2e: {  	v7 =	vadd.s32 $0x600, v6;
	_ =	sdelay $0x2  }
0x2f: {  	v8, v9, _ =	vpop (xrf1)  }
0x30: {  	v22, v23, _ =	vpop (xrf1)  }
0x31: {  	v24 =	vld.idx.msk [tilespmem:v7+s2+$0x0], $0xffff;
	v10 =	vperm.xlane v22, v1  }
0x32: {  	v11 =	vperm.xlane v23, v1  }
0x33: {  	vm1 =	vle.f32 v8, v10  }
0x34: {  	v8 =	vsel vm1, v8, v10;
	v9 =	vsel vm1, v9, v11  }
0x35: {  	(xrf1) =	vsort.ascd.msk.f32 $0xffff, v8, v9  }
0x36: {  	(xrf1) =	vsort.ascd.msk.f32 $0xffff, v24, v7;
	_ =	sdelay $0x9  }
0x37: {  	v7 =	vadd.s32 $0x800, v6;
	_ =	sdelay $0x2  }
0x38: {  	v8, v9, _ =	vpop (xrf1)  }
0x39: {  	v25, v26, _ =	vpop (xrf1)  }
0x3a: {  	v27 =	vld.idx.msk [tilespmem:v7+s2+$0x0], $0xffff;
	v10 =	vperm.xlane v25, v1  }
0x3b: {  	v11 =	vperm.xlane v26, v1  }
0x3c: {  	vm1 =	vle.f32 v8, v10  }
0x3d: {  	v8 =	vsel vm1, v8, v10;
	v9 =	vsel vm1, v9, v11  }
0x3e: {  	(xrf1) =	vsort.ascd.msk.f32 $0xffff, v8, v9  }
0x3f: {  	(xrf1) =	vsort.ascd.msk.f32 $0xffff, v27, v7;
	_ =	sdelay $0x9  }
0x40: {  	v7 =	vadd.s32 $0xA00, v6;
	_ =	sdelay $0x2  }
0x41: {  	v8, v9, _ =	vpop (xrf1)  }
0x42: {  	v28, v29, _ =	vpop (xrf1)  }
0x43: {  	v30 =	vld.idx.msk [tilespmem:v7+s2+$0x0], $0xffff;
	v10 =	vperm.xlane v28, v1  }
0x44: {  	v11 =	vperm.xlane v29, v1  }
0x45: {  	vm1 =	vle.f32 v8, v10  }
0x46: {  	v8 =	vsel vm1, v8, v10;
	v9 =	vsel vm1, v9, v11  }
0x47: {  	(xrf1) =	vsort.ascd.msk.f32 $0xffff, v8, v9  }
0x48: {  	(xrf1) =	vsort.ascd.msk.f32 $0xffff, v30, v7;
	_ =	sdelay $0x9  }
0x49: {  	v7 =	vadd.s32 $0xC00, v6;
	_ =	sdelay $0x2  }
0x4a: {  	v8, v9, _ =	vpop (xrf1)  }
0x4b: {  	v31, v32, _ =	vpop (xrf1)  }
0x4c: {  	v33 =	vld.idx.msk [tilespmem:v7+s2+$0x0], $0xffff;
	v10 =	vperm.xlane v31, v1  }
0x4d: {  	v11 =	vperm.xlane v32, v1  }
0x4e: {  	vm1 =	vle.f32 v8, v10  }
0x4f: {  	v8 =	vsel vm1, v8, v10;
	v9 =	vsel vm1, v9, v11  }
0x50: {  	(xrf1) =	vsort.ascd.msk.f32 $0xffff, v8, v9  }
0x51: {  	(xrf1) =	vsort.ascd.msk.f32 $0xffff, v33, v7;
	_ =	sdelay $0x9  }
0x52: {  	v7 =	vadd.s32 $0xE00, v6;
	_ =	sdelay $0x2  }
0x53: {  	v8, v9, _ =	vpop (xrf1)  }
0x54: {  	v34, v35, _ =	vpop (xrf1)  }
0x55: {  	v36 =	vld.idx.msk [tilespmem:v7+s2+$0x0], $0xffff;
	v10 =	vperm.xlane v34, v1  }
0x56: {  	v11 =	vperm.xlane v35, v1  }
0x57: {  	vm1 =	vle.f32 v8, v10  }
0x58: {  	v8 =	vsel vm1, v8, v10;
	v9 =	vsel vm1, v9, v11  }
0x59: {  	(xrf1) =	vsort.ascd.msk.f32 $0xffff, v8, v9  }
0x5a: {  	(xrf1) =	vsort.ascd.msk.f32 $0xffff, v36, v7;
	_ =	sdelay $0x9  }
0x5b: {  	v7 =	vadd.s32 $0x1000, v6;
	_ =	sdelay $0x2  }
0x5c: {  	v8, v9, _ =	vpop (xrf1)  }
0x5d: {  	v37, v38, _ =	vpop (xrf1)  }
0x5e: {  	v39 =	vld.idx.msk [tilespmem:v7+s2+$0x0], $0xffff;
	v10 =	vperm.xlane v37, v1  }
0x5f: {  	v11 =	vperm.xlane v38, v1  }
0x60: {  	vm1 =	vle.f32 v8, v10  }
0x61: {  	v8 =	vsel vm1, v8, v10;
	v9 =	vsel vm1, v9, v11  }
0x62: {  	(xrf1) =	vsort.ascd.msk.f32 $0xffff, v8, v9  }
0x63: {  	(xrf1) =	vsort.ascd.msk.f32 $0xffff, v39, v7;
	_ =	sdelay $0x9  }
0x64: {  	v7 =	vadd.s32 $0x1200, v6;
	_ =	sdelay $0x2  }
0x65: {  	v8, v9, _ =	vpop (xrf1)  }
0x66: {  	v40, v41, _ =	vpop (xrf1)  }
0x67: {  	v42 =	vld.idx.msk [tilespmem:v7+s2+$0x0], $0xffff;
	v10 =	vperm.xlane v40, v1  }
0x68: {  	v11 =	vperm.xlane v41, v1  }
0x69: {  	vm1 =	vle.f32 v8, v10  }
0x6a: {  	v8 =	vsel vm1, v8, v10;
	v9 =	vsel vm1, v9, v11  }
0x6b: {  	(xrf1) =	vsort.ascd.msk.f32 $0xffff, v8, v9  }
0x6c: {  	(xrf1) =	vsort.ascd.msk.f32 $0xffff, v42, v7;
	_ =	sdelay $0x9  }
0x6d: {  	v7 =	vadd.s32 $0x1400, v6;
	_ =	sdelay $0x2  }
0x6e: {  	v8, v9, _ =	vpop (xrf1)  }
0x6f: {  	v43, v44, _ =	vpop (xrf1)  }
0x70: {  	v45 =	vld.idx.msk [tilespmem:v7+s2+$0x0], $0xffff;
	v10 =	vperm.xlane v43, v1  }
0x71: {  	v11 =	vperm.xlane v44, v1  }
0x72: {  	vm1 =	vle.f32 v8, v10  }
0x73: {  	v8 =	vsel vm1, v8, v10;
	v9 =	vsel vm1, v9, v11  }
0x74: {  	(xrf1) =	vsort.ascd.msk.f32 $0xffff, v8, v9  }
0x75: {  	(xrf1) =	vsort.ascd.msk.f32 $0xffff, v45, v7;
	_ =	sdelay $0x9  }
0x76: {  	v7 =	vadd.s32 $0x1600, v6;
	_ =	sdelay $0x2  }
0x77: {  	v8, v9, _ =	vpop (xrf1)  }
0x78: {  	v46, v47, _ =	vpop (xrf1)  }
0x79: {  	v48 =	vld.idx.msk [tilespmem:v7+s2+$0x0], $0xffff;
	v10 =	vperm.xlane v46, v1  }
0x7a: {  	v11 =	vperm.xlane v47, v1  }
0x7b: {  	vm1 =	vle.f32 v8, v10  }
0x7c: {  	v8 =	vsel vm1, v8, v10;
	v9 =	vsel vm1, v9, v11  }
0x7d: {  	(xrf1) =	vsort.ascd.msk.f32 $0xffff, v8, v9  }
0x7e: {  	(xrf1) =	vsort.ascd.msk.f32 $0xffff, v48, v7;
	_ =	sdelay $0x9  }
0x7f: {  	v7 =	vadd.s32 $0x1800, v6;
	_ =	sdelay $0x2  }
0x80: {  	v8, v9, _ =	vpop (xrf1)  }
0x81: {  	v49, v50, _ =	vpop (xrf1)  }
0x82: {  	v51 =	vld.idx.msk [tilespmem:v7+s2+$0x0], $0xffff;
	v10 =	vperm.xlane v49, v1  }
0x83: {  	v11 =	vperm.xlane v50, v1  }
0x84: {  	vm1 =	vle.f32 v8, v10  }
0x85: {  	v8 =	vsel vm1, v8, v10;
	v9 =	vsel vm1, v9, v11  }
0x86: {  	(xrf1) =	vsort.ascd.msk.f32 $0xffff, v8, v9  }
0x87: {  	(xrf1) =	vsort.ascd.msk.f32 $0xffff, v51, v7;
	_ =	sdelay $0x9  }
0x88: {  	v7 =	vadd.s32 $0x1A00, v6;
	_ =	sdelay $0x2  }
0x89: {  	v8, v9, _ =	vpop (xrf1)  }
0x8a: {  	v52, v53, _ =	vpop (xrf1)  }
0x8b: {  	v54 =	vld.idx.msk [tilespmem:v7+s2+$0x0], $0xffff;
	v10 =	vperm.xlane v52, v1  }
0x8c: {  	v11 =	vperm.xlane v53, v1  }
0x8d: {  	vm1 =	vle.f32 v8, v10  }
0x8e: {  	v8 =	vsel vm1, v8, v10;
	v9 =	vsel vm1, v9, v11  }
0x8f: {  	(xrf1) =	vsort.ascd.msk.f32 $0xffff, v8, v9  }
0x90: {  	(xrf1) =	vsort.ascd.msk.f32 $0xffff, v54, v7;
	_ =	sdelay $0x9  }
0x91: {  	v7 =	vadd.s32 $0x1C00, v6;
	_ =	sdelay $0x2  }
0x92: {  	v8, v9, _ =	vpop (xrf1)  }
0x93: {  	v55, v56, _ =	vpop (xrf1)  }
0x94: {  	v57 =	vld.idx.msk [tilespmem:v7+s2+$0x0], $0xffff;
	v10 =	vperm.xlane v55, v1  }
0x95: {  	v11 =	vperm.xlane v56, v1  }
0x96: {  	vm1 =	vle.f32 v8, v10  }
0x97: {  	v8 =	vsel vm1, v8, v10;
	v9 =	vsel vm1, v9, v11  }
0x98: {  	(xrf1) =	vsort.ascd.msk.f32 $0xffff, v8, v9  }
0x99: {  	(xrf1) =	vsort.ascd.msk.f32 $0xffff, v57, v7;
	_ =	sdelay $0x9  }
0x9a: {  	v6 =	vadd.s32 $0x1E00, v6;
	_ =	sdelay $0x2  }
0x9b: {  	v7, v8, _ =	vpop (xrf1)  }
0x9c: {  	v59, v58, _ =	vpop (xrf1)  }
0x9d: {  	v60 =	vld.idx.msk [tilespmem:v6+s2+$0x0], $0xffff;
	v9 =	vperm.xlane v59, v1  }
0x9e: {  	v10 =	vperm.xlane v58, v1  }
0x9f: {  	vm1 =	vle.f32 v7, v9  }
0xa0: {  	v7 =	vsel vm1, v7, v9;
	v8 =	vsel vm1, v8, v10  }
0xa1: {  	(xrf1) =	vsort.ascd.msk.f32 $0xffff, v7, v8  }
0xa2: {  	(xrf1) =	vsort.ascd.msk.f32 $0xffff, v60, v6;
	_ =	sdelay $0xc  }
0xa3: {  	v6, v7, _ =	vpop (xrf1)  }
0xa4: {  	v62, v61, _ =	vpop (xrf1)  }
0xa5: {  	v8 =	vperm.xlane v62, v1  }
0xa6: {  	v9 =	vperm.xlane v61, v1  }
0xa7: {  	vm1 =	vle.f32 v6, v8  }
0xa8: {  	v6 =	vsel vm1, v6, v8;
	v7 =	vsel vm1, v7, v9  }
0xa9: {  	(xrf1) =	vsort.ascd.msk.f32 $0xffff, v6, v7;
	_ =	sdelay $0xd  }
0xaa: {  	_, v6, _ =	vpop (xrf1)  }
0xab: {  	v6 =	vadd.s32 v0, v6  }
0xac: {  	[tilespmem:$0x6800] =	vst v6  }
0xad: {  	v6 =	vld [tilespmem:$0x6800];
	_ =	sdelay $0x4  }
0xae: {  	v7 =	vshll.u32 v6, $0x2  }
0xaf: {  	v6 =	vand.u32 $0x7, v6;
	v7 =	vand.u32 $0xFFFFFFE0, v7  }
0xb0: {  	v6 =	vor.u32 v6, v7  }
0xb1: {  	v7 =	vperm.xlane v6, v3;
	_ =	sdelay $0x1  }
0xb2: {  	v7 =	vadd.s32 v4, v7;
	_ =	sdelay $0x1  }
0xb3: {  	v6 =	vperm.xlane v6, v5  }
0xb4: {  	v63 =	vor.u32 s30, v2  }
0xb5: {  	[tilespmem:$0x6880] =	vst v63;
	v6 =	vadd.s32 v4, v6  }
0xb6: {  	[tilespmem:s17], [sflag:$0x2] =	stream.indirect_vreg.gather [hbm4b:s3+s2], $0x80, v7, vm0, $0xb8;
	[tilespmem:$0x6900] =	vst v63  }
0xb7: {  	_ = 	snop  }
0xb8: {  	[tilespmem:s18], [sflag:$0x2] =	stream.indirect_vreg.gather [hbm4b:s8+s2], $0x80, v7, vm0, $0xb8;
	[tilespmem:$0x6900] =	vst v63  }
0xb9: {  	_ = 	snop  }
0xba: {  	[tilespmem:s19], [sflag:$0x2] =	stream.indirect_vreg.gather [hbm4b:s3+s2], $0x80, v6, vm0, $0xb8;
	[tilespmem:$0x6900] =	vst v63  }
0xbb: {  	_ = 	snop  }
0xbc: {  	[tilespmem:s20], [sflag:$0x2] =	stream.indirect_vreg.gather [hbm4b:s8+s2], $0x80, v6, vm0, $0xb8;
	[tilespmem:$0x6900] =	vst v63  }
0xbd: {  	_ =	swait.ge [sflag:s21], $0x2000  }
0xbe: {  	[sflag:s21] =	ssyncset.done $0x0  }
0xbf: {  	[sflag:s21] =	ssyncadd.s32 $0xFFFFE000  }
0xc0: {  	v6 =	vld [tilespmem:$0x6800];
	_ =	sdelay $0x4  }
0xc1: {  	v7 =	vshll.u32 v6, $0x2  }
0xc2: {  	v6 =	vand.u32 $0x7, v6;
	v7 =	vand.u32 $0xFFFFFFE0, v7  }
0xc3: {  	v6 =	vor.u32 v6, v7  }
0xc4: {  	v7 =	vperm.xlane v6, v3;
	_ =	sdelay $0x1  }
0xc5: {  	v7 =	vadd.s32 v4, v7;
	_ =	sdelay $0x1  }
0xc6: {  	v6 =	vperm.xlane v6, v5;
	_ =	sdelay $0x1  }
0xc7: {  	v6 =	vadd.s32 v4, v6  }
0xc8: {  	[tilespmem:s22], [sflag:$0x3] =	stream.indirect_vreg.gather [hbm4b:s4+s2], $0x80, v7, vm0, $0xb8;
	[tilespmem:$0x6900] =	vst v63  }
0xc9: {  	_ = 	snop  }
0xca: {  	[tilespmem:s23], [sflag:$0x3] =	stream.indirect_vreg.gather [hbm4b:s9+s2], $0x80, v7, vm0, $0xb8;
	[tilespmem:$0x6900] =	vst v63  }
0xcb: {  	_ = 	snop  }
0xcc: {  	[tilespmem:s24], [sflag:$0x3] =	stream.indirect_vreg.gather [hbm4b:s4+s2], $0x80, v6, vm0, $0xb8;
	[tilespmem:$0x6900] =	vst v63  }
0xcd: {  	_ = 	snop  }
0xce: {  	[tilespmem:s25], [sflag:$0x3] =	stream.indirect_vreg.gather [hbm4b:s9+s2], $0x80, v6, vm0, $0xb8;
	[tilespmem:$0x6900] =	vst v63  }
0xcf: {  	_ =	swait.ge [sflag:s26], $0x2000  }
0xd0: {  	[sflag:s26] =	ssyncset.done $0x0  }
0xd1: {  	[sflag:s26] =	ssyncadd.s32 $0xFFFFE000  }
0xd2: {  	v6 =	vld [tilespmem:$0x6880];
	_ =	sdelay $0x4  }
0xd3: {  	v7 =	vshll.u32 v6, $0x2  }
0xd4: {  	v6 =	vand.u32 $0x7, v6;
	v7 =	vand.u32 $0xFFFFFFE0, v7  }
0xd5: {  	v6 =	vor.u32 v6, v7  }
0xd6: {  	v7 =	vperm.xlane v6, v3;
	_ =	sdelay $0x1  }
0xd7: {  	v7 =	vadd.s32 v4, v7;
	_ =	sdelay $0x1  }
0xd8: {  	v6 =	vperm.xlane v6, v5;
	_ =	sdelay $0x1  }
0xd9: {  	v6 =	vadd.s32 v4, v6  }
0xda: {  	[hbm4b:s5+s2] =	stream.indirect_vreg.scatter [tilespmem:s17], [sflag:$0x2], $0x80, v7, vm0, $0xb8;
	[tilespmem:$0x6900] =	vst v63  }
0xdb: {  	_ = 	snop  }
0xdc: {  	[hbm4b:s10+s2] =	stream.indirect_vreg.scatter [tilespmem:s18], [sflag:$0x2], $0x80, v7, vm0, $0xb8;
	[tilespmem:$0x6900] =	vst v63  }
0xdd: {  	_ = 	snop  }
0xde: {  	[hbm4b:s5+s2] =	stream.indirect_vreg.scatter [tilespmem:s19], [sflag:$0x2], $0x80, v6, vm0, $0xb8;
	[tilespmem:$0x6900] =	vst v63  }
0xdf: {  	_ = 	snop  }
0xe0: {  	[hbm4b:s10+s2] =	stream.indirect_vreg.scatter [tilespmem:s20], [sflag:$0x2], $0x80, v6, vm0, $0xb8;
	[tilespmem:$0x6900] =	vst v63  }
0xe1: {  	_ =	swait.ge [sflag:s21], $0x2000  }
0xe2: {  	[sflag:s21] =	ssyncset.done $0x0  }
0xe3: {  	[sflag:s21] =	ssyncadd.s32 $0xFFFFE000  }
0xe4: {  	v6 =	vld [tilespmem:$0x6880];
	_ =	sdelay $0x4  }
0xe5: {  	v7 =	vshll.u32 v6, $0x2  }
0xe6: {  	v6 =	vand.u32 $0x7, v6;
	v7 =	vand.u32 $0xFFFFFFE0, v7  }
0xe7: {  	v6 =	vor.u32 v6, v7  }
0xe8: {  	v7 =	vperm.xlane v6, v3;
	_ =	sdelay $0x1  }
0xe9: {  	v7 =	vadd.s32 v4, v7;
	_ =	sdelay $0x1  }
0xea: {  	v6 =	vperm.xlane v6, v5;
	_ =	sdelay $0x1  }
0xeb: {  	v6 =	vadd.s32 v4, v6  }
0xec: {  	[hbm4b:s6+s2] =	stream.indirect_vreg.scatter [tilespmem:s22], [sflag:$0x3], $0x80, v7, vm0, $0xb8;
	[tilespmem:$0x6900] =	vst v63  }
0xed: {  	_ = 	snop  }
0xee: {  	[hbm4b:s11+s2] =	stream.indirect_vreg.scatter [tilespmem:s23], [sflag:$0x3], $0x80, v7, vm0, $0xb8;
	[tilespmem:$0x6900] =	vst v63  }
0xef: {  	p0 =	sne.s32 s0, $0x7F0  }
0xf0: {  	[hbm4b:s6+s2] =	stream.indirect_vreg.scatter [tilespmem:s24], [sflag:$0x3], $0x80, v6, vm0, $0xb8;
	[tilespmem:$0x6900] =	vst v63  }
.Ltmp0:
0xf1: {  	_ = 	snop;
	(pc) =	sbr.rel @p0 .LBB2_2-.Ltmp0, $4  }
0xf2: {  	[hbm4b:s11+s2] =	stream.indirect_vreg.scatter [tilespmem:s25], [sflag:$0x3], $0x80, v6, vm0, $0xb8;
	[tilespmem:$0x6900] =	vst v63  }
0xf3: {  	_ =	swait.ge [sflag:s26], $0x2000  }
0xf4: {  	s30 =	sadd.s32 $0x1, s30;
	s0 =	sadd.s32 $0x10, s0;
	[sflag:s26] =	ssyncset.done $0x0  }
0xf5: {  	s31 =	sadd.s32 $0x400, s31;
	s29 =	sadd.s32 $0x10, s29;
	[sflag:s26] =	ssyncadd.s32 $0xFFFFE000  }
0xf6: {  	s28 =	sadd.s32 $0x1, s28;
	s0 =	rddreg [dreg:$0x6]  }
0xf7: {  	p0 =	sne.s32 s28, s0  }
.Ltmp1:
0xf8: {  	_ = 	snop;
	(pc) =	sbr.rel @p0 .LBB2_1-.Ltmp1, $1  }
0xf9: {  	_ =	sdelay $0x3  }
0xfa: {  	_ =	sfence.sel $0x180000  }
0xfb: {  	[bflag:$0x0] =	sbarrier.arrive $0xFFFF  }
0xfc: {  	_ =	strace $0x90000047  }
0xfd: {  	s0 =	stileid.u32;
	[bflag:$0x2] =	sbarrier.arrive $0xFFFF  }
0xfe: {  	p0 =	sne.s32 s0, $0x0;
	s0 =	rddreg [dreg:$0x1]  }
0xff: {  	s0 =	sadd.s32 @!p0 $0x100000, s0  }
0x100: {  	[sflag:s0] =	ssyncadd.tile.s32 @!p0 $0x1;
	_ =	shalt  }
.Lfunc_end2:
_tile_overlayer_lowered:
.L_overlay_start_2:
0x101: {  	(tag) =	ssettag $0x2  }
0x102: {  	s0 =	rddreg [dreg:$0x0];
	s2 =	stileid.u32  }
0x103: {  	s1 =	rddreg [dreg:$0x1];
	p0 =	sne.s32 s2, $0x0  }
0x104: {  	s3 =	rddreg [dreg:$0x2];
	[bflag:$0x3] =	sbarrier.arrive $0xFFFF;
	s2 =	simm.s32 @!p0 $0x1C04  }
0x105: {  	[timem:s3], [sflag:s2] =	dma.local @!p0 [hbm:s0], s1  }
0x106: {  	s0 =	simm.s32 @!p0 $0x4  }
0x107: {  	_ =	swait.ge @!p0 [sflag:s0], s1  }
0x108: {  	s1 =	ssub.s32 @!p0 $0x0, s1;
	[sflag:s0] =	ssyncset.done @!p0 $0x0  }
0x109: {  	[sflag:s0] =	ssyncadd.s32 @!p0 s1  }
0x10a: {  	[bflag:$0x3] =	sbarrier.arrive $0xFFFF  }
0x10b: {  	_ =	shalt  }

</sc_bundles>
